<compile_context>
chip_gen: v7x
topology: tpu7x:2x2x1
jax: 0.10.2.dev20260603
libtpu: 0.0.44.dev20260713+nightly
codegen_flags: <defaults>
</compile_context>

<pallas_src>
import functools

import jax
import jax.numpy as jnp
from jax import lax
from jax.experimental import pallas as pl
from jax.experimental.pallas import tpu as pltpu
from jax.experimental.pallas import tpu_sc as plsc

B, L, D, V = 64, 512, 768, 100000
N = B * L
NC, NS = 2, 16
NW = NC * NS
CHUNK = 64

S = 2
NSL = N // S
TOK_W = NSL // NW
NCHUNK = TOK_W // CHUNK

BLK = 512
BLKS_S = NSL // BLK


def _sc_gather_word(src_w, word_table, dep=None):
    mesh = plsc.VectorSubcoreMesh(core_axis_name="c", subcore_axis_name="s")

    def body(src_hbm, tab_hbm, out_hbm, idx_v, buf0, buf1, sem0, sem1):
        wid = lax.axis_index("s") * NC + lax.axis_index("c")
        base = wid * TOK_W
        pltpu.sync_copy(src_hbm.at[wid], idx_v)
        bufs = (buf0, buf1)
        sems = (sem0, sem1)

        pltpu.async_copy(tab_hbm.at[idx_v.at[0]], buf0, sem0)

        def step(j, _):
            slot = lax.rem(j, 2)
            nslot = lax.rem(j + 1, 2)

            @pl.when(j + 1 < NCHUNK)
            def _():
                def fire(s):
                    pltpu.async_copy(tab_hbm.at[idx_v.at[j + 1]], bufs[s], sems[s])
                lax.cond(nslot == 0, lambda: fire(0), lambda: fire(1))

            def drain(s):
                pltpu.make_async_copy(tab_hbm.at[idx_v.at[j]], bufs[s], sems[s]).wait()
                pltpu.sync_copy(bufs[s], out_hbm.at[pl.ds(base + j * CHUNK, CHUNK)])
            lax.cond(slot == 0, lambda: drain(0), lambda: drain(1))
            return 0

        lax.fori_loop(0, NCHUNK, step, 0)

    scratch = [
        pltpu.VMEM((NCHUNK, CHUNK), jnp.int32),
        pltpu.VMEM((CHUNK, D), jnp.float32),
        pltpu.VMEM((CHUNK, D), jnp.float32),
        pltpu.SemaphoreType.DMA,
        pltpu.SemaphoreType.DMA,
    ]
    out_type = jax.ShapeDtypeStruct((NSL, D), jnp.float32)

    if dep is None:
        @functools.partial(pl.kernel, out_type=out_type, mesh=mesh,
                           scratch_types=scratch)
        def gather_kernel(src_hbm, tab_hbm, out_hbm, *rest):
            body(src_hbm, tab_hbm, out_hbm, *rest)
        return gather_kernel(src_w, word_table)

    @functools.partial(pl.kernel, out_type=out_type, mesh=mesh,
                       scratch_types=scratch)
    def gather_kernel_dep(src_hbm, tab_hbm, dep_hbm, out_hbm, *rest):
        del dep_hbm
        body(src_hbm, tab_hbm, out_hbm, *rest)
    return gather_kernel_dep(src_w, word_table, dep)


def _emb_ln(g, posb, segb, typb, ptab, sttab, gam, bet):
    p_iota = lax.broadcasted_iota(jnp.int32, (512, BLK), 0)
    oh_p = (p_iota == posb).astype(jnp.bfloat16)
    st_iota = lax.broadcasted_iota(jnp.int32, (32, BLK), 0)
    oh_st = ((st_iota == segb) | (st_iota == typb + 3)).astype(jnp.bfloat16)
    dn = (((0,), (0,)), ((), ()))
    small = (lax.dot_general(oh_p, ptab, dn, preferred_element_type=jnp.float32)
             + lax.dot_general(oh_st, sttab, dn,
                               preferred_element_type=jnp.float32))
    x = g + small
    mean = jnp.mean(x, axis=1, keepdims=True)
    ex2 = jnp.mean(x * x, axis=1, keepdims=True)
    r = lax.rsqrt(ex2 - mean * mean + 1e-6)
    a = r * gam
    return x * a + (bet - mean * a)


def _tc_body0(g_r, pos_r, seg_r, typ_r, ptab_r, sttab_r, gam_r, bet_r, out_r):
    out_r[...] = _emb_ln(g_r[...], pos_r[0], seg_r[0], typ_r[0],
                         ptab_r[...], sttab_r[...], gam_r[...], bet_r[...])


def _tc_body1(buf_r, g_r, pos_r, seg_r, typ_r, ptab_r, sttab_r, gam_r,
              bet_r, out_r):
    del buf_r
    out_r[...] = _emb_ln(g_r[...], pos_r[0], seg_r[0], typ_r[0],
                         ptab_r[...], sttab_r[...], gam_r[...], bet_r[...])


_ID_SPEC = pl.BlockSpec((1, 1, BLK), lambda i: (i, 0, 0))
_TAB_SPECS = [
    pl.BlockSpec((512, D), lambda i: (0, 0)),
    pl.BlockSpec((32, D), lambda i: (0, 0)),
    pl.BlockSpec((1, D), lambda i: (0, 0)),
    pl.BlockSpec((1, D), lambda i: (0, 0)),
]


def kernel(ids, src, seg, type, concept_ent_pairs, edge_idx, pos, need_gnn,
           word_table, token_type_table, pos_table, seg_table, gamma, beta):
    src_w = src.reshape(S, NW, NCHUNK, CHUNK).astype(jnp.int32)
    ptab = pos_table.astype(jnp.bfloat16)
    sttab = jnp.concatenate(
        [seg_table, token_type_table, jnp.zeros((8, D), jnp.float32)],
        axis=0).astype(jnp.bfloat16)
    pos_i = pos.reshape(S, BLKS_S, 1, BLK).astype(jnp.int32)
    seg_i = seg.reshape(S, BLKS_S, 1, BLK).astype(jnp.int32)
    typ_i = type.reshape(S, BLKS_S, 1, BLK).astype(jnp.int32)
    gam = gamma.reshape(1, D)
    bet = beta.reshape(1, D)

    g0 = _sc_gather_word(src_w[0], word_table)
    g1 = _sc_gather_word(src_w[1], word_table, dep=g0)

    buf = pl.pallas_call(
        _tc_body0,
        grid=(BLKS_S,),
        in_specs=[pl.BlockSpec((BLK, D), lambda i: (i, 0)),
                  _ID_SPEC, _ID_SPEC, _ID_SPEC, *_TAB_SPECS],
        out_specs=pl.BlockSpec((BLK, D), lambda i: (i, 0)),
        out_shape=jax.ShapeDtypeStruct((N, D), jnp.float32),
    )(g0, pos_i[0], seg_i[0], typ_i[0], ptab, sttab, gam, bet)

    out = pl.pallas_call(
        _tc_body1,
        grid=(BLKS_S,),
        in_specs=[pl.BlockSpec(memory_space=pl.ANY),
                  pl.BlockSpec((BLK, D), lambda i: (i, 0)),
                  _ID_SPEC, _ID_SPEC, _ID_SPEC, *_TAB_SPECS],
        out_specs=pl.BlockSpec((BLK, D), lambda i: (BLKS_S + i, 0)),
        out_shape=jax.ShapeDtypeStruct((N, D), jnp.float32),
        input_output_aliases={0: 0},
    )(buf, g1, pos_i[1], seg_i[1], typ_i[1], ptab, sttab, gam, bet)
    return out.reshape(B, L, D)

# --- scband reference (transcript-rebuilt; emitter-appended) ---
"""Pipeline reference for scband-bert-embedding-4252017623405 (READ-ONLY COPY).

The authoritative reference and input builder live on the scoring server;
editing this copy changes nothing except your own understanding.
"""

import jax, jax.numpy as jnp
import numpy as np

B, L, D, V = 64, 512, 768, 100000


def layer_norm(x, gamma, beta, eps=1e-6):
    mean = x.mean(-1, keepdims=True)
    var = ((x - mean) ** 2).mean(-1, keepdims=True)
    return gamma * (x - mean) / jnp.sqrt(var + eps) + beta


def setup_inputs(seed: int = 0) -> dict:
    key = jax.random.key(seed)
    ks = jax.random.split(key, 12)
    inp = {
        "ids": jax.random.randint(ks[0], (B, L), 0, V),
        "src": jax.random.randint(ks[1], (B, L), 0, V),
        "seg": jax.random.randint(ks[2], (B, L), 0, 3),
        "type": jax.random.randint(ks[3], (B, L), 0, 21),
        "concept_ent_pairs": jnp.zeros((1,), dtype=jnp.int32),
        "edge_idx": jnp.zeros((2, 1), dtype=jnp.int32),
        "pos": jax.random.randint(ks[4], (B, L), 0, 512),
        "need_gnn": 0,
        "word_table": jax.random.normal(ks[5], (V, D), dtype=jnp.float32) * 0.02,
        "token_type_table": jnp.zeros((21, D), dtype=jnp.float32),
        "pos_table": jax.random.normal(ks[6], (512, D), dtype=jnp.float32) * 0.02,
        "seg_table": jax.random.normal(ks[7], (3, D), dtype=jnp.float32) * 0.02,
        "gamma": jnp.ones((D,), dtype=jnp.float32),
        "beta": jnp.zeros((D,), dtype=jnp.float32),
    }
    return inp


def reference(ids, src, seg, type, concept_ent_pairs, edge_idx, pos, need_gnn,
              word_table, token_type_table, pos_table, seg_table, gamma, beta):
    # need_gnn == False -> GNN branch is skipped (GATLayer path not taken).
    word_emb = jnp.take(word_table, src, axis=0)
    # pos is provided (not None), so use position_embedding(pos)
    pos_emb = jnp.take(pos_table, pos, axis=0)
    seg_emb = jnp.take(seg_table, seg, axis=0)
    type_emb = jnp.take(token_type_table, type, axis=0)
    emb = word_emb + pos_emb + seg_emb + type_emb
    emb = layer_norm(emb, gamma, beta)
    # dropout is identity in eval mode
    return emb

if __name__ == "__main__":
    import jax
    _d = setup_inputs()
    print(jax.jit(kernel)(*tuple(_d.values())))

</pallas_src>

<mosaic_0001>
#map = affine_map<(d0, d1) -> (0, 0, 0)>
#map1 = affine_map<(d0, d1) -> (0, 0)>
module attributes {stable_mosaic.version = 14 : i64} {
  func.func @gather_kernel(%arg0: i32, %arg1: i32, %arg2: memref<32x8x64xi32, #tpu.memory_space<hbm>>, %arg3: memref<100000x768xf32, #tpu.memory_space<hbm>>, %arg4: memref<16384x768xf32, #tpu.memory_space<hbm>>, %arg5: memref<8x64xi32, #tpu.memory_space<vmem>>, %arg6: memref<64x768xf32, #tpu.memory_space<vmem>>, %arg7: memref<64x768xf32, #tpu.memory_space<vmem>>, %arg8: memref<!tpu.dma_semaphore, #tpu.memory_space<semaphore_mem>>, %arg9: memref<!tpu.dma_semaphore, #tpu.memory_space<semaphore_mem>>) attributes {dimension_semantics = [#tpu.dimension_semantics<core_parallel>, #tpu.dimension_semantics<subcore_parallel>], iteration_bounds = array<i64: 2, 16>, scalar_prefetch = 0 : i64, scratch_operands = 5 : i64, tpu.core_type = #tpu.core_type<sc_vector_subcore>, window_params = [{transform_indices = #map}, {transform_indices = #map1}, {transform_indices = #map1}]} {
    %mul3A = arith.constant 2 : i32
    %mul3A_0 = arith.muli %arg1, %mul3A : i32
    %add3A = arith.addi %mul3A_0, %arg0 : i32
    %mul3A_1 = arith.constant 512 : i32
    %mul3A_2 = arith.muli %add3A, %mul3A_1 : i32
    "tpu.region"() ({
      %run_scoped3A = tpu.sem_alloc : memref<!tpu.dma_semaphore, #tpu.memory_space<semaphore_mem>>
      %dma_start3A_15 = arith.constant 0 : i32
      %dma_start3A_16 = arith.constant 0 : i32
      %dma_start3A_17 = tpu.memref_slice %arg2[%add3A, %dma_start3A_15, %dma_start3A_16] : memref<32x8x64xi32, #tpu.memory_space<hbm>> -> memref<1x8x64xi32, #tpu.memory_space<hbm>>
      %dma_start3A_18 = tpu.memref_squeeze %dma_start3A_17 : memref<1x8x64xi32, #tpu.memory_space<hbm>> -> memref<8x64xi32, #tpu.memory_space<hbm>>
      %dma_start3A_19 = arith.constant 0 : i32
      %dma_start3A_20 = arith.constant 0 : i32
      %dma_start3A_21 = tpu.memref_slice %arg2[%add3A, %dma_start3A_19, %dma_start3A_20] : memref<32x8x64xi32, #tpu.memory_space<hbm>> -> memref<1x8x64xi32, #tpu.memory_space<hbm>>
      %dma_start3A_22 = tpu.memref_squeeze %dma_start3A_21 : memref<1x8x64xi32, #tpu.memory_space<hbm>> -> memref<8x64xi32, #tpu.memory_space<hbm>>
      tpu.enqueue_dma source(%dma_start3A_22 : memref<8x64xi32, #tpu.memory_space<hbm>>) target(%arg5 : memref<8x64xi32, #tpu.memory_space<vmem>>) target_semaphore(%run_scoped3A : memref<!tpu.dma_semaphore, #tpu.memory_space<semaphore_mem>>)
      %dma_wait3A = arith.constant 0 : i32
      %dma_wait3A_23 = arith.constant 0 : i32
      %dma_wait3A_24 = tpu.memref_slice %arg2[%add3A, %dma_wait3A, %dma_wait3A_23] : memref<32x8x64xi32, #tpu.memory_space<hbm>> -> memref<1x8x64xi32, #tpu.memory_space<hbm>>
      %dma_wait3A_25 = tpu.memref_squeeze %dma_wait3A_24 : memref<1x8x64xi32, #tpu.memory_space<hbm>> -> memref<8x64xi32, #tpu.memory_space<hbm>>
      %dma_wait3A_26 = arith.constant 0 : i32
      %dma_wait3A_27 = arith.constant 0 : i32
      %dma_wait3A_28 = tpu.memref_slice %arg2[%add3A, %dma_wait3A_26, %dma_wait3A_27] : memref<32x8x64xi32, #tpu.memory_space<hbm>> -> memref<1x8x64xi32, #tpu.memory_space<hbm>>
      %dma_wait3A_29 = tpu.memref_squeeze %dma_wait3A_28 : memref<1x8x64xi32, #tpu.memory_space<hbm>> -> memref<8x64xi32, #tpu.memory_space<hbm>>
      tpu.wait_dma2 semaphore(%run_scoped3A : memref<!tpu.dma_semaphore, #tpu.memory_space<semaphore_mem>>) src(%dma_wait3A_29 : memref<8x64xi32, #tpu.memory_space<hbm>>) dst(%arg5 : memref<8x64xi32, #tpu.memory_space<vmem>>)
      tpu.yield
    }) : () -> ()
    %dma_start3A = arith.constant 0 : i32
    %dma_start3A_3 = arith.constant 0 : i32
    %dma_start3A_4 = tpu.memref_slice %arg5[%dma_start3A, %dma_start3A_3] : memref<8x64xi32, #tpu.memory_space<vmem>> -> memref<1x64xi32, #tpu.memory_space<vmem>>
    %dma_start3A_5 = tpu.memref_squeeze %dma_start3A_4 : memref<1x64xi32, #tpu.memory_space<vmem>> -> memref<64xi32, #tpu.memory_space<vmem>>
    %dma_start3A_6 = arith.constant 0 : i32
    %dma_start3A_7 = arith.constant 0 : i32
    %dma_start3A_8 = tpu.memref_slice %arg3[%dma_start3A_6, %dma_start3A_7] : memref<100000x768xf32, #tpu.memory_space<hbm>> -> memref<100000x768xf32, #tpu.memory_space<hbm>>
    tpu.enqueue_indirect_dma source(%dma_start3A_8 : memref<100000x768xf32, #tpu.memory_space<hbm>>) target(%arg6 : memref<64x768xf32, #tpu.memory_space<vmem>>) offsets(%dma_start3A_5 : memref<64xi32, #tpu.memory_space<vmem>>) semaphore(%arg8 : memref<!tpu.dma_semaphore, #tpu.memory_space<semaphore_mem>>)
    %scan3A = arith.constant 0 : i32
    %scan3A_9 = arith.constant 0 : i32
    %scan3A_10 = arith.constant 8 : i32
    %scan3A_11 = arith.addi %scan3A_9, %scan3A_10 : i32
    %scan3A_12 = arith.constant 1 : i32
    %scan3A_13 = scf.for %scan3A_15 = %scan3A_9 to %scan3A_11 step %scan3A_12 iter_args(%scan3A_16 = %scan3A) -> (i32)  : i32 {
      %rem3A = arith.constant 2 : i32
      %rem3A_17 = arith.remsi %scan3A_15, %rem3A : i32
      %add3A_18 = arith.constant 1 : i32
      %add3A_19 = arith.addi %scan3A_15, %add3A_18 : i32
      %rem3A_20 = arith.constant 2 : i32
      %rem3A_21 = arith.remsi %add3A_19, %rem3A_20 : i32
      %add3A_22 = arith.constant 1 : i32
      %add3A_23 = arith.addi %scan3A_15, %add3A_22 : i32
      %lt3A = arith.constant 8 : i32
      %lt3A_24 = arith.cmpi slt, %add3A_23, %lt3A : i32
      %convert_element_type3A = arith.extui %lt3A_24 : i1 to i32
      %cond3A = arith.constant 0 : i32
      %cond3A_25 = arith.cmpi ne, %convert_element_type3A, %cond3A : i32
      scf.if %cond3A_25 {
        %eq3A_31 = arith.constant 0 : i32
        %eq3A_32 = arith.cmpi eq, %rem3A_21, %eq3A_31 : i32
        %convert_element_type3A_33 = arith.extui %eq3A_32 : i1 to i32
        %cond3A_34 = arith.constant 0 : i32
        %cond3A_35 = arith.cmpi ne, %convert_element_type3A_33, %cond3A_34 : i32
        scf.if %cond3A_35 {
          %add3A_36 = arith.constant 1 : i32
          %add3A_37 = arith.addi %scan3A_15, %add3A_36 : i32
          %dma_start3A_38 = arith.constant 0 : i32
          %dma_start3A_39 = tpu.memref_slice %arg5[%add3A_37, %dma_start3A_38] : memref<8x64xi32, #tpu.memory_space<vmem>> -> memref<1x64xi32, #tpu.memory_space<vmem>>
          %dma_start3A_40 = tpu.memref_squeeze %dma_start3A_39 : memref<1x64xi32, #tpu.memory_space<vmem>> -> memref<64xi32, #tpu.memory_space<vmem>>
          %dma_start3A_41 = arith.constant 0 : i32
          %dma_start3A_42 = arith.constant 0 : i32
          %dma_start3A_43 = tpu.memref_slice %arg3[%dma_start3A_41, %dma_start3A_42] : memref<100000x768xf32, #tpu.memory_space<hbm>> -> memref<100000x768xf32, #tpu.memory_space<hbm>>
          tpu.enqueue_indirect_dma source(%dma_start3A_43 : memref<100000x768xf32, #tpu.memory_space<hbm>>) target(%arg6 : memref<64x768xf32, #tpu.memory_space<vmem>>) offsets(%dma_start3A_40 : memref<64xi32, #tpu.memory_space<vmem>>) semaphore(%arg8 : memref<!tpu.dma_semaphore, #tpu.memory_space<semaphore_mem>>)
        } else {
          %add3A_36 = arith.constant 1 : i32
          %add3A_37 = arith.addi %scan3A_15, %add3A_36 : i32
          %dma_start3A_38 = arith.constant 0 : i32
          %dma_start3A_39 = tpu.memref_slice %arg5[%add3A_37, %dma_start3A_38] : memref<8x64xi32, #tpu.memory_space<vmem>> -> memref<1x64xi32, #tpu.memory_space<vmem>>
          %dma_start3A_40 = tpu.memref_squeeze %dma_start3A_39 : memref<1x64xi32, #tpu.memory_space<vmem>> -> memref<64xi32, #tpu.memory_space<vmem>>
          %dma_start3A_41 = arith.constant 0 : i32
          %dma_start3A_42 = arith.constant 0 : i32
          %dma_start3A_43 = tpu.memref_slice %arg3[%dma_start3A_41, %dma_start3A_42] : memref<100000x768xf32, #tpu.memory_space<hbm>> -> memref<100000x768xf32, #tpu.memory_space<hbm>>
          tpu.enqueue_indirect_dma source(%dma_start3A_43 : memref<100000x768xf32, #tpu.memory_space<hbm>>) target(%arg7 : memref<64x768xf32, #tpu.memory_space<vmem>>) offsets(%dma_start3A_40 : memref<64xi32, #tpu.memory_space<vmem>>) semaphore(%arg9 : memref<!tpu.dma_semaphore, #tpu.memory_space<semaphore_mem>>)
        }
      } else {
      }
      %eq3A = arith.constant 0 : i32
      %eq3A_26 = arith.cmpi eq, %rem3A_17, %eq3A : i32
      %convert_element_type3A_27 = arith.extui %eq3A_26 : i1 to i32
      %cond3A_28 = arith.constant 0 : i32
      %cond3A_29 = arith.cmpi ne, %convert_element_type3A_27, %cond3A_28 : i32
      scf.if %cond3A_29 {
        %dma_wait3A = arith.constant 0 : i32
        %dma_wait3A_31 = tpu.memref_slice %arg5[%scan3A_15, %dma_wait3A] : memref<8x64xi32, #tpu.memory_space<vmem>> -> memref<1x64xi32, #tpu.memory_space<vmem>>
        %dma_wait3A_32 = tpu.memref_squeeze %dma_wait3A_31 : memref<1x64xi32, #tpu.memory_space<vmem>> -> memref<64xi32, #tpu.memory_space<vmem>>
        %dma_wait3A_33 = arith.constant 0 : i32
        %dma_wait3A_34 = arith.constant 0 : i32
        %dma_wait3A_35 = tpu.memref_slice %arg3[%dma_wait3A_33, %dma_wait3A_34] : memref<100000x768xf32, #tpu.memory_space<hbm>> -> memref<100000x768xf32, #tpu.memory_space<hbm>>
        tpu.wait_indirect_dma semaphore(%arg8 : memref<!tpu.dma_semaphore, #tpu.memory_space<semaphore_mem>>) src(%dma_wait3A_35 : memref<100000x768xf32, #tpu.memory_space<hbm>>) dst(%arg6 : memref<64x768xf32, #tpu.memory_space<vmem>>)
        %mul3A_36 = arith.constant 64 : i32
        %mul3A_37 = arith.muli %scan3A_15, %mul3A_36 : i32
        %add3A_38 = arith.addi %mul3A_2, %mul3A_37 : i32
        "tpu.region"() ({
          %run_scoped3A = tpu.sem_alloc : memref<!tpu.dma_semaphore, #tpu.memory_space<semaphore_mem>>
          %dma_start3A_39 = arith.constant 0 : i32
          %dma_start3A_40 = tpu.memref_slice %arg4[%add3A_38, %dma_start3A_39] : memref<16384x768xf32, #tpu.memory_space<hbm>> -> memref<64x768xf32, #tpu.memory_space<hbm>>
          %dma_start3A_41 = arith.constant 0 : i32
          %dma_start3A_42 = tpu.memref_slice %arg4[%add3A_38, %dma_start3A_41] : memref<16384x768xf32, #tpu.memory_space<hbm>> -> memref<64x768xf32, #tpu.memory_space<hbm>>
          tpu.enqueue_dma source(%arg6 : memref<64x768xf32, #tpu.memory_space<vmem>>) target(%dma_start3A_42 : memref<64x768xf32, #tpu.memory_space<hbm>>) target_semaphore(%run_scoped3A : memref<!tpu.dma_semaphore, #tpu.memory_space<semaphore_mem>>)
          %dma_wait3A_43 = arith.constant 0 : i32
          %dma_wait3A_44 = tpu.memref_slice %arg4[%add3A_38, %dma_wait3A_43] : memref<16384x768xf32, #tpu.memory_space<hbm>> -> memref<64x768xf32, #tpu.memory_space<hbm>>
          %dma_wait3A_45 = arith.constant 0 : i32
          %dma_wait3A_46 = tpu.memref_slice %arg4[%add3A_38, %dma_wait3A_45] : memref<16384x768xf32, #tpu.memory_space<hbm>> -> memref<64x768xf32, #tpu.memory_space<hbm>>
          tpu.wait_dma2 semaphore(%run_scoped3A : memref<!tpu.dma_semaphore, #tpu.memory_space<semaphore_mem>>) src(%arg6 : memref<64x768xf32, #tpu.memory_space<vmem>>) dst(%dma_wait3A_46 : memref<64x768xf32, #tpu.memory_space<hbm>>)
          tpu.yield
        }) : () -> ()
      } else {
        %dma_wait3A = arith.constant 0 : i32
        %dma_wait3A_31 = tpu.memref_slice %arg5[%scan3A_15, %dma_wait3A] : memref<8x64xi32, #tpu.memory_space<vmem>> -> memref<1x64xi32, #tpu.memory_space<vmem>>
        %dma_wait3A_32 = tpu.memref_squeeze %dma_wait3A_31 : memref<1x64xi32, #tpu.memory_space<vmem>> -> memref<64xi32, #tpu.memory_space<vmem>>
        %dma_wait3A_33 = arith.constant 0 : i32
        %dma_wait3A_34 = arith.constant 0 : i32
        %dma_wait3A_35 = tpu.memref_slice %arg3[%dma_wait3A_33, %dma_wait3A_34] : memref<100000x768xf32, #tpu.memory_space<hbm>> -> memref<100000x768xf32, #tpu.memory_space<hbm>>
        tpu.wait_indirect_dma semaphore(%arg9 : memref<!tpu.dma_semaphore, #tpu.memory_space<semaphore_mem>>) src(%dma_wait3A_35 : memref<100000x768xf32, #tpu.memory_space<hbm>>) dst(%arg7 : memref<64x768xf32, #tpu.memory_space<vmem>>)
        %mul3A_36 = arith.constant 64 : i32
        %mul3A_37 = arith.muli %scan3A_15, %mul3A_36 : i32
        %add3A_38 = arith.addi %mul3A_2, %mul3A_37 : i32
        "tpu.region"() ({
          %run_scoped3A = tpu.sem_alloc : memref<!tpu.dma_semaphore, #tpu.memory_space<semaphore_mem>>
          %dma_start3A_39 = arith.constant 0 : i32
          %dma_start3A_40 = tpu.memref_slice %arg4[%add3A_38, %dma_start3A_39] : memref<16384x768xf32, #tpu.memory_space<hbm>> -> memref<64x768xf32, #tpu.memory_space<hbm>>
          %dma_start3A_41 = arith.constant 0 : i32
          %dma_start3A_42 = tpu.memref_slice %arg4[%add3A_38, %dma_start3A_41] : memref<16384x768xf32, #tpu.memory_space<hbm>> -> memref<64x768xf32, #tpu.memory_space<hbm>>
          tpu.enqueue_dma source(%arg7 : memref<64x768xf32, #tpu.memory_space<vmem>>) target(%dma_start3A_42 : memref<64x768xf32, #tpu.memory_space<hbm>>) target_semaphore(%run_scoped3A : memref<!tpu.dma_semaphore, #tpu.memory_space<semaphore_mem>>)
          %dma_wait3A_43 = arith.constant 0 : i32
          %dma_wait3A_44 = tpu.memref_slice %arg4[%add3A_38, %dma_wait3A_43] : memref<16384x768xf32, #tpu.memory_space<hbm>> -> memref<64x768xf32, #tpu.memory_space<hbm>>
          %dma_wait3A_45 = arith.constant 0 : i32
          %dma_wait3A_46 = tpu.memref_slice %arg4[%add3A_38, %dma_wait3A_45] : memref<16384x768xf32, #tpu.memory_space<hbm>> -> memref<64x768xf32, #tpu.memory_space<hbm>>
          tpu.wait_dma2 semaphore(%run_scoped3A : memref<!tpu.dma_semaphore, #tpu.memory_space<semaphore_mem>>) src(%arg7 : memref<64x768xf32, #tpu.memory_space<vmem>>) dst(%dma_wait3A_46 : memref<64x768xf32, #tpu.memory_space<hbm>>)
          tpu.yield
        }) : () -> ()
      }
      %scan3A_30 = arith.constant 0 : i32
      scf.yield %scan3A_30 : i32
    }
    %scan3A_14 = arith.constant 8 : i32
    return
  }
}

#map = affine_map<(d0, d1) -> (0, 0, 0)>
#map1 = affine_map<(d0, d1) -> (0, 0)>
module attributes {stable_mosaic.version = 14 : i64} {
  func.func @gather_kernel_dep(%arg0: i32, %arg1: i32, %arg2: memref<32x8x64xi32, #tpu.memory_space<hbm>>, %arg3: memref<100000x768xf32, #tpu.memory_space<hbm>>, %arg4: memref<16384x768xf32, #tpu.memory_space<hbm>>, %arg5: memref<16384x768xf32, #tpu.memory_space<hbm>>, %arg6: memref<8x64xi32, #tpu.memory_space<vmem>>, %arg7: memref<64x768xf32, #tpu.memory_space<vmem>>, %arg8: memref<64x768xf32, #tpu.memory_space<vmem>>, %arg9: memref<!tpu.dma_semaphore, #tpu.memory_space<semaphore_mem>>, %arg10: memref<!tpu.dma_semaphore, #tpu.memory_space<semaphore_mem>>) attributes {dimension_semantics = [#tpu.dimension_semantics<core_parallel>, #tpu.dimension_semantics<subcore_parallel>], iteration_bounds = array<i64: 2, 16>, scalar_prefetch = 0 : i64, scratch_operands = 5 : i64, tpu.core_type = #tpu.core_type<sc_vector_subcore>, window_params = [{transform_indices = #map}, {transform_indices = #map1}, {transform_indices = #map1}, {transform_indices = #map1}]} {
    %mul3A = arith.constant 2 : i32
    %mul3A_0 = arith.muli %arg1, %mul3A : i32
    %add3A = arith.addi %mul3A_0, %arg0 : i32
    %mul3A_1 = arith.constant 512 : i32
    %mul3A_2 = arith.muli %add3A, %mul3A_1 : i32
    "tpu.region"() ({
      %run_scoped3A = tpu.sem_alloc : memref<!tpu.dma_semaphore, #tpu.memory_space<semaphore_mem>>
      %dma_start3A_15 = arith.constant 0 : i32
      %dma_start3A_16 = arith.constant 0 : i32
      %dma_start3A_17 = tpu.memref_slice %arg2[%add3A, %dma_start3A_15, %dma_start3A_16] : memref<32x8x64xi32, #tpu.memory_space<hbm>> -> memref<1x8x64xi32, #tpu.memory_space<hbm>>
      %dma_start3A_18 = tpu.memref_squeeze %dma_start3A_17 : memref<1x8x64xi32, #tpu.memory_space<hbm>> -> memref<8x64xi32, #tpu.memory_space<hbm>>
      %dma_start3A_19 = arith.constant 0 : i32
      %dma_start3A_20 = arith.constant 0 : i32
      %dma_start3A_21 = tpu.memref_slice %arg2[%add3A, %dma_start3A_19, %dma_start3A_20] : memref<32x8x64xi32, #tpu.memory_space<hbm>> -> memref<1x8x64xi32, #tpu.memory_space<hbm>>
      %dma_start3A_22 = tpu.memref_squeeze %dma_start3A_21 : memref<1x8x64xi32, #tpu.memory_space<hbm>> -> memref<8x64xi32, #tpu.memory_space<hbm>>
      tpu.enqueue_dma source(%dma_start3A_22 : memref<8x64xi32, #tpu.memory_space<hbm>>) target(%arg6 : memref<8x64xi32, #tpu.memory_space<vmem>>) target_semaphore(%run_scoped3A : memref<!tpu.dma_semaphore, #tpu.memory_space<semaphore_mem>>)
      %dma_wait3A = arith.constant 0 : i32
      %dma_wait3A_23 = arith.constant 0 : i32
      %dma_wait3A_24 = tpu.memref_slice %arg2[%add3A, %dma_wait3A, %dma_wait3A_23] : memref<32x8x64xi32, #tpu.memory_space<hbm>> -> memref<1x8x64xi32, #tpu.memory_space<hbm>>
      %dma_wait3A_25 = tpu.memref_squeeze %dma_wait3A_24 : memref<1x8x64xi32, #tpu.memory_space<hbm>> -> memref<8x64xi32, #tpu.memory_space<hbm>>
      %dma_wait3A_26 = arith.constant 0 : i32
      %dma_wait3A_27 = arith.constant 0 : i32
      %dma_wait3A_28 = tpu.memref_slice %arg2[%add3A, %dma_wait3A_26, %dma_wait3A_27] : memref<32x8x64xi32, #tpu.memory_space<hbm>> -> memref<1x8x64xi32, #tpu.memory_space<hbm>>
      %dma_wait3A_29 = tpu.memref_squeeze %dma_wait3A_28 : memref<1x8x64xi32, #tpu.memory_space<hbm>> -> memref<8x64xi32, #tpu.memory_space<hbm>>
      tpu.wait_dma2 semaphore(%run_scoped3A : memref<!tpu.dma_semaphore, #tpu.memory_space<semaphore_mem>>) src(%dma_wait3A_29 : memref<8x64xi32, #tpu.memory_space<hbm>>) dst(%arg6 : memref<8x64xi32, #tpu.memory_space<vmem>>)
      tpu.yield
    }) : () -> ()
    %dma_start3A = arith.constant 0 : i32
    %dma_start3A_3 = arith.constant 0 : i32
    %dma_start3A_4 = tpu.memref_slice %arg6[%dma_start3A, %dma_start3A_3] : memref<8x64xi32, #tpu.memory_space<vmem>> -> memref<1x64xi32, #tpu.memory_space<vmem>>
    %dma_start3A_5 = tpu.memref_squeeze %dma_start3A_4 : memref<1x64xi32, #tpu.memory_space<vmem>> -> memref<64xi32, #tpu.memory_space<vmem>>
    %dma_start3A_6 = arith.constant 0 : i32
    %dma_start3A_7 = arith.constant 0 : i32
    %dma_start3A_8 = tpu.memref_slice %arg3[%dma_start3A_6, %dma_start3A_7] : memref<100000x768xf32, #tpu.memory_space<hbm>> -> memref<100000x768xf32, #tpu.memory_space<hbm>>
    tpu.enqueue_indirect_dma source(%dma_start3A_8 : memref<100000x768xf32, #tpu.memory_space<hbm>>) target(%arg7 : memref<64x768xf32, #tpu.memory_space<vmem>>) offsets(%dma_start3A_5 : memref<64xi32, #tpu.memory_space<vmem>>) semaphore(%arg9 : memref<!tpu.dma_semaphore, #tpu.memory_space<semaphore_mem>>)
    %scan3A = arith.constant 0 : i32
    %scan3A_9 = arith.constant 0 : i32
    %scan3A_10 = arith.constant 8 : i32
    %scan3A_11 = arith.addi %scan3A_9, %scan3A_10 : i32
    %scan3A_12 = arith.constant 1 : i32
    %scan3A_13 = scf.for %scan3A_15 = %scan3A_9 to %scan3A_11 step %scan3A_12 iter_args(%scan3A_16 = %scan3A) -> (i32)  : i32 {
      %rem3A = arith.constant 2 : i32
      %rem3A_17 = arith.remsi %scan3A_15, %rem3A : i32
      %add3A_18 = arith.constant 1 : i32
      %add3A_19 = arith.addi %scan3A_15, %add3A_18 : i32
      %rem3A_20 = arith.constant 2 : i32
      %rem3A_21 = arith.remsi %add3A_19, %rem3A_20 : i32
      %add3A_22 = arith.constant 1 : i32
      %add3A_23 = arith.addi %scan3A_15, %add3A_22 : i32
      %lt3A = arith.constant 8 : i32
      %lt3A_24 = arith.cmpi slt, %add3A_23, %lt3A : i32
      %convert_element_type3A = arith.extui %lt3A_24 : i1 to i32
      %cond3A = arith.constant 0 : i32
      %cond3A_25 = arith.cmpi ne, %convert_element_type3A, %cond3A : i32
      scf.if %cond3A_25 {
        %eq3A_31 = arith.constant 0 : i32
        %eq3A_32 = arith.cmpi eq, %rem3A_21, %eq3A_31 : i32
        %convert_element_type3A_33 = arith.extui %eq3A_32 : i1 to i32
        %cond3A_34 = arith.constant 0 : i32
        %cond3A_35 = arith.cmpi ne, %convert_element_type3A_33, %cond3A_34 : i32
        scf.if %cond3A_35 {
          %add3A_36 = arith.constant 1 : i32
          %add3A_37 = arith.addi %scan3A_15, %add3A_36 : i32
          %dma_start3A_38 = arith.constant 0 : i32
          %dma_start3A_39 = tpu.memref_slice %arg6[%add3A_37, %dma_start3A_38] : memref<8x64xi32, #tpu.memory_space<vmem>> -> memref<1x64xi32, #tpu.memory_space<vmem>>
          %dma_start3A_40 = tpu.memref_squeeze %dma_start3A_39 : memref<1x64xi32, #tpu.memory_space<vmem>> -> memref<64xi32, #tpu.memory_space<vmem>>
          %dma_start3A_41 = arith.constant 0 : i32
          %dma_start3A_42 = arith.constant 0 : i32
          %dma_start3A_43 = tpu.memref_slice %arg3[%dma_start3A_41, %dma_start3A_42] : memref<100000x768xf32, #tpu.memory_space<hbm>> -> memref<100000x768xf32, #tpu.memory_space<hbm>>
          tpu.enqueue_indirect_dma source(%dma_start3A_43 : memref<100000x768xf32, #tpu.memory_space<hbm>>) target(%arg7 : memref<64x768xf32, #tpu.memory_space<vmem>>) offsets(%dma_start3A_40 : memref<64xi32, #tpu.memory_space<vmem>>) semaphore(%arg9 : memref<!tpu.dma_semaphore, #tpu.memory_space<semaphore_mem>>)
        } else {
          %add3A_36 = arith.constant 1 : i32
          %add3A_37 = arith.addi %scan3A_15, %add3A_36 : i32
          %dma_start3A_38 = arith.constant 0 : i32
          %dma_start3A_39 = tpu.memref_slice %arg6[%add3A_37, %dma_start3A_38] : memref<8x64xi32, #tpu.memory_space<vmem>> -> memref<1x64xi32, #tpu.memory_space<vmem>>
          %dma_start3A_40 = tpu.memref_squeeze %dma_start3A_39 : memref<1x64xi32, #tpu.memory_space<vmem>> -> memref<64xi32, #tpu.memory_space<vmem>>
          %dma_start3A_41 = arith.constant 0 : i32
          %dma_start3A_42 = arith.constant 0 : i32
          %dma_start3A_43 = tpu.memref_slice %arg3[%dma_start3A_41, %dma_start3A_42] : memref<100000x768xf32, #tpu.memory_space<hbm>> -> memref<100000x768xf32, #tpu.memory_space<hbm>>
          tpu.enqueue_indirect_dma source(%dma_start3A_43 : memref<100000x768xf32, #tpu.memory_space<hbm>>) target(%arg8 : memref<64x768xf32, #tpu.memory_space<vmem>>) offsets(%dma_start3A_40 : memref<64xi32, #tpu.memory_space<vmem>>) semaphore(%arg10 : memref<!tpu.dma_semaphore, #tpu.memory_space<semaphore_mem>>)
        }
      } else {
      }
      %eq3A = arith.constant 0 : i32
      %eq3A_26 = arith.cmpi eq, %rem3A_17, %eq3A : i32
      %convert_element_type3A_27 = arith.extui %eq3A_26 : i1 to i32
      %cond3A_28 = arith.constant 0 : i32
      %cond3A_29 = arith.cmpi ne, %convert_element_type3A_27, %cond3A_28 : i32
      scf.if %cond3A_29 {
        %dma_wait3A = arith.constant 0 : i32
        %dma_wait3A_31 = tpu.memref_slice %arg6[%scan3A_15, %dma_wait3A] : memref<8x64xi32, #tpu.memory_space<vmem>> -> memref<1x64xi32, #tpu.memory_space<vmem>>
        %dma_wait3A_32 = tpu.memref_squeeze %dma_wait3A_31 : memref<1x64xi32, #tpu.memory_space<vmem>> -> memref<64xi32, #tpu.memory_space<vmem>>
        %dma_wait3A_33 = arith.constant 0 : i32
        %dma_wait3A_34 = arith.constant 0 : i32
        %dma_wait3A_35 = tpu.memref_slice %arg3[%dma_wait3A_33, %dma_wait3A_34] : memref<100000x768xf32, #tpu.memory_space<hbm>> -> memref<100000x768xf32, #tpu.memory_space<hbm>>
        tpu.wait_indirect_dma semaphore(%arg9 : memref<!tpu.dma_semaphore, #tpu.memory_space<semaphore_mem>>) src(%dma_wait3A_35 : memref<100000x768xf32, #tpu.memory_space<hbm>>) dst(%arg7 : memref<64x768xf32, #tpu.memory_space<vmem>>)
        %mul3A_36 = arith.constant 64 : i32
        %mul3A_37 = arith.muli %scan3A_15, %mul3A_36 : i32
        %add3A_38 = arith.addi %mul3A_2, %mul3A_37 : i32
        "tpu.region"() ({
          %run_scoped3A = tpu.sem_alloc : memref<!tpu.dma_semaphore, #tpu.memory_space<semaphore_mem>>
          %dma_start3A_39 = arith.constant 0 : i32
          %dma_start3A_40 = tpu.memref_slice %arg5[%add3A_38, %dma_start3A_39] : memref<16384x768xf32, #tpu.memory_space<hbm>> -> memref<64x768xf32, #tpu.memory_space<hbm>>
          %dma_start3A_41 = arith.constant 0 : i32
          %dma_start3A_42 = tpu.memref_slice %arg5[%add3A_38, %dma_start3A_41] : memref<16384x768xf32, #tpu.memory_space<hbm>> -> memref<64x768xf32, #tpu.memory_space<hbm>>
          tpu.enqueue_dma source(%arg7 : memref<64x768xf32, #tpu.memory_space<vmem>>) target(%dma_start3A_42 : memref<64x768xf32, #tpu.memory_space<hbm>>) target_semaphore(%run_scoped3A : memref<!tpu.dma_semaphore, #tpu.memory_space<semaphore_mem>>)
          %dma_wait3A_43 = arith.constant 0 : i32
          %dma_wait3A_44 = tpu.memref_slice %arg5[%add3A_38, %dma_wait3A_43] : memref<16384x768xf32, #tpu.memory_space<hbm>> -> memref<64x768xf32, #tpu.memory_space<hbm>>
          %dma_wait3A_45 = arith.constant 0 : i32
          %dma_wait3A_46 = tpu.memref_slice %arg5[%add3A_38, %dma_wait3A_45] : memref<16384x768xf32, #tpu.memory_space<hbm>> -> memref<64x768xf32, #tpu.memory_space<hbm>>
          tpu.wait_dma2 semaphore(%run_scoped3A : memref<!tpu.dma_semaphore, #tpu.memory_space<semaphore_mem>>) src(%arg7 : memref<64x768xf32, #tpu.memory_space<vmem>>) dst(%dma_wait3A_46 : memref<64x768xf32, #tpu.memory_space<hbm>>)
          tpu.yield
        }) : () -> ()
      } else {
        %dma_wait3A = arith.constant 0 : i32
        %dma_wait3A_31 = tpu.memref_slice %arg6[%scan3A_15, %dma_wait3A] : memref<8x64xi32, #tpu.memory_space<vmem>> -> memref<1x64xi32, #tpu.memory_space<vmem>>
        %dma_wait3A_32 = tpu.memref_squeeze %dma_wait3A_31 : memref<1x64xi32, #tpu.memory_space<vmem>> -> memref<64xi32, #tpu.memory_space<vmem>>
        %dma_wait3A_33 = arith.constant 0 : i32
        %dma_wait3A_34 = arith.constant 0 : i32
        %dma_wait3A_35 = tpu.memref_slice %arg3[%dma_wait3A_33, %dma_wait3A_34] : memref<100000x768xf32, #tpu.memory_space<hbm>> -> memref<100000x768xf32, #tpu.memory_space<hbm>>
        tpu.wait_indirect_dma semaphore(%arg10 : memref<!tpu.dma_semaphore, #tpu.memory_space<semaphore_mem>>) src(%dma_wait3A_35 : memref<100000x768xf32, #tpu.memory_space<hbm>>) dst(%arg8 : memref<64x768xf32, #tpu.memory_space<vmem>>)
        %mul3A_36 = arith.constant 64 : i32
        %mul3A_37 = arith.muli %scan3A_15, %mul3A_36 : i32
        %add3A_38 = arith.addi %mul3A_2, %mul3A_37 : i32
        "tpu.region"() ({
          %run_scoped3A = tpu.sem_alloc : memref<!tpu.dma_semaphore, #tpu.memory_space<semaphore_mem>>
          %dma_start3A_39 = arith.constant 0 : i32
          %dma_start3A_40 = tpu.memref_slice %arg5[%add3A_38, %dma_start3A_39] : memref<16384x768xf32, #tpu.memory_space<hbm>> -> memref<64x768xf32, #tpu.memory_space<hbm>>
          %dma_start3A_41 = arith.constant 0 : i32
          %dma_start3A_42 = tpu.memref_slice %arg5[%add3A_38, %dma_start3A_41] : memref<16384x768xf32, #tpu.memory_space<hbm>> -> memref<64x768xf32, #tpu.memory_space<hbm>>
          tpu.enqueue_dma source(%arg8 : memref<64x768xf32, #tpu.memory_space<vmem>>) target(%dma_start3A_42 : memref<64x768xf32, #tpu.memory_space<hbm>>) target_semaphore(%run_scoped3A : memref<!tpu.dma_semaphore, #tpu.memory_space<semaphore_mem>>)
          %dma_wait3A_43 = arith.constant 0 : i32
          %dma_wait3A_44 = tpu.memref_slice %arg5[%add3A_38, %dma_wait3A_43] : memref<16384x768xf32, #tpu.memory_space<hbm>> -> memref<64x768xf32, #tpu.memory_space<hbm>>
          %dma_wait3A_45 = arith.constant 0 : i32
          %dma_wait3A_46 = tpu.memref_slice %arg5[%add3A_38, %dma_wait3A_45] : memref<16384x768xf32, #tpu.memory_space<hbm>> -> memref<64x768xf32, #tpu.memory_space<hbm>>
          tpu.wait_dma2 semaphore(%run_scoped3A : memref<!tpu.dma_semaphore, #tpu.memory_space<semaphore_mem>>) src(%arg8 : memref<64x768xf32, #tpu.memory_space<vmem>>) dst(%dma_wait3A_46 : memref<64x768xf32, #tpu.memory_space<hbm>>)
          tpu.yield
        }) : () -> ()
      }
      %scan3A_30 = arith.constant 0 : i32
      scf.yield %scan3A_30 : i32
    }
    %scan3A_14 = arith.constant 8 : i32
    return
  }
}

module attributes {stable_mosaic.version = 14 : i64} {
  func.func @_tc_body1(%arg0: i32, %arg1: memref<32768x768xf32, #tpu.memory_space<any>>, %arg2: memref<512x768xf32, #tpu.memory_space<vmem>>, %arg3: memref<1x1x512xi32, #tpu.memory_space<vmem>>, %arg4: memref<1x1x512xi32, #tpu.memory_space<vmem>>, %arg5: memref<1x1x512xi32, #tpu.memory_space<vmem>>, %arg6: memref<512x768xbf16, #tpu.memory_space<vmem>>, %arg7: memref<32x768xbf16, #tpu.memory_space<vmem>>, %arg8: memref<1x768xf32, #tpu.memory_space<vmem>>, %arg9: memref<1x768xf32, #tpu.memory_space<vmem>>, %arg10: memref<512x768xf32, #tpu.memory_space<vmem>>) attributes {dimension_semantics = [#tpu.dimension_semantics<arbitrary>], iteration_bounds = array<i64: 32>, scalar_prefetch = 0 : i64, scratch_operands = 0 : i64, tpu.core_type = #tpu.core_type<tc>, window_params = [{}, {transform_indices = @transform_1, window_bounds = array<i64: 512, 768>}, {transform_indices = @transform_2, window_bounds = array<i64: 1, 1, 512>}, {transform_indices = @transform_3, window_bounds = array<i64: 1, 1, 512>}, {transform_indices = @transform_4, window_bounds = array<i64: 1, 1, 512>}, {pipeline_mode = #tpu.pipeline_mode<synchronous>, transform_indices = @transform_5, window_bounds = array<i64: 512, 768>}, {pipeline_mode = #tpu.pipeline_mode<synchronous>, transform_indices = @transform_6, window_bounds = array<i64: 32, 768>}, {pipeline_mode = #tpu.pipeline_mode<synchronous>, transform_indices = @transform_7, window_bounds = array<i64: 1, 768>}, {pipeline_mode = #tpu.pipeline_mode<synchronous>, transform_indices = @transform_8, window_bounds = array<i64: 1, 768>}, {transform_indices = @transform_9, window_bounds = array<i64: 512, 768>}]} {
    %get3A = arith.constant 0 : index
    %get3A_0 = arith.constant 0 : index
    %get3A_1 = vector.load %arg2[%get3A, %get3A_0] : memref<512x768xf32, #tpu.memory_space<vmem>>, vector<512x768xf32>
    %get3A_2 = arith.constant 0 : index
    %get3A_3 = arith.constant 0 : index
    %get3A_4 = arith.constant 0 : index
    %get3A_5 = vector.load %arg3[%get3A_2, %get3A_3, %get3A_4] : memref<1x1x512xi32, #tpu.memory_space<vmem>>, vector<1x1x512xi32>
    %get3A_6 = vector.shape_cast %get3A_5 : vector<1x1x512xi32> to vector<1x512xi32>
    %get3A_7 = arith.constant 0 : index
    %get3A_8 = arith.constant 0 : index
    %get3A_9 = arith.constant 0 : index
    %get3A_10 = vector.load %arg4[%get3A_7, %get3A_8, %get3A_9] : memref<1x1x512xi32, #tpu.memory_space<vmem>>, vector<1x1x512xi32>
    %get3A_11 = vector.shape_cast %get3A_10 : vector<1x1x512xi32> to vector<1x512xi32>
    %get3A_12 = arith.constant 0 : index
    %get3A_13 = arith.constant 0 : index
    %get3A_14 = arith.constant 0 : index
    %get3A_15 = vector.load %arg5[%get3A_12, %get3A_13, %get3A_14] : memref<1x1x512xi32, #tpu.memory_space<vmem>>, vector<1x1x512xi32>
    %get3A_16 = vector.shape_cast %get3A_15 : vector<1x1x512xi32> to vector<1x512xi32>
    %get3A_17 = arith.constant 0 : index
    %get3A_18 = arith.constant 0 : index
    %get3A_19 = vector.load %arg6[%get3A_17, %get3A_18] : memref<512x768xbf16, #tpu.memory_space<vmem>>, vector<512x768xbf16>
    %get3A_20 = arith.constant 0 : index
    %get3A_21 = arith.constant 0 : index
    %get3A_22 = vector.load %arg7[%get3A_20, %get3A_21] : memref<32x768xbf16, #tpu.memory_space<vmem>>, vector<32x768xbf16>
    %get3A_23 = arith.constant 0 : index
    %get3A_24 = arith.constant 0 : index
    %get3A_25 = vector.load %arg8[%get3A_23, %get3A_24] : memref<1x768xf32, #tpu.memory_space<vmem>>, vector<1x768xf32>
    %get3A_26 = arith.constant 0 : index
    %get3A_27 = arith.constant 0 : index
    %get3A_28 = vector.load %arg9[%get3A_26, %get3A_27] : memref<1x768xf32, #tpu.memory_space<vmem>>, vector<1x768xf32>
    %iota3A = tpu.iota {dimensions = array<i32: 0>} : vector<512x512xi32>
    %eq3A = vector.broadcast %get3A_6 : vector<1x512xi32> to vector<512x512xi32>
    %eq3A_29 = arith.cmpi eq, %iota3A, %eq3A : vector<512x512xi32>
    %convert_element_type3A = arith.extui %eq3A_29 : vector<512x512xi1> to vector<512x512xi32>
    %convert_element_type3A_30 = arith.sitofp %convert_element_type3A : vector<512x512xi32> to vector<512x512xf32>
    %convert_element_type3A_31 = arith.truncf %convert_element_type3A_30 : vector<512x512xf32> to vector<512x512xbf16>
    %iota3A_32 = tpu.iota {dimensions = array<i32: 0>} : vector<32x512xi32>
    %eq3A_33 = vector.broadcast %get3A_11 : vector<1x512xi32> to vector<32x512xi32>
    %eq3A_34 = arith.cmpi eq, %iota3A_32, %eq3A_33 : vector<32x512xi32>
    %add3A = arith.constant 3 : i32
    %add3A_35 = vector.broadcast %add3A : i32 to vector<1x512xi32>
    %add3A_36 = arith.addi %get3A_16, %add3A_35 : vector<1x512xi32>
    %eq3A_37 = vector.broadcast %add3A_36 : vector<1x512xi32> to vector<32x512xi32>
    %eq3A_38 = arith.cmpi eq, %iota3A_32, %eq3A_37 : vector<32x512xi32>
    %or3A = arith.ori %eq3A_34, %eq3A_38 : vector<32x512xi1>
    %convert_element_type3A_39 = arith.extui %or3A : vector<32x512xi1> to vector<32x512xi32>
    %convert_element_type3A_40 = arith.sitofp %convert_element_type3A_39 : vector<32x512xi32> to vector<32x512xf32>
    %convert_element_type3A_41 = arith.truncf %convert_element_type3A_40 : vector<32x512xf32> to vector<32x512xbf16>
    %dot_general3A = arith.constant dense<0.000000e+00> : vector<512x768xf32>
    %dot_general3A_42 = tpu.matmul %convert_element_type3A_31, %get3A_19, %dot_general3A {dimension_numbers = #tpu.dot_dimension_numbers<[0], [0], [1], [1], [0, 1, 1, 1], [], []>, transpose_lhs_hint = false} : vector<512x512xbf16>, vector<512x768xbf16>, vector<512x768xf32> -> vector<512x768xf32>
    %dot_general3A_43 = arith.constant dense<0.000000e+00> : vector<512x768xf32>
    %dot_general3A_44 = tpu.matmul %convert_element_type3A_41, %get3A_22, %dot_general3A_43 {dimension_numbers = #tpu.dot_dimension_numbers<[0], [0], [1], [1], [0, 1, 1, 1], [], []>, transpose_lhs_hint = false} : vector<32x512xbf16>, vector<32x768xbf16>, vector<512x768xf32> -> vector<512x768xf32>
    %add3A_45 = arith.addf %dot_general3A_42, %dot_general3A_44 : vector<512x768xf32>
    %add3A_46 = arith.addf %get3A_1, %add3A_45 : vector<512x768xf32>
    %reduce_sum3A = arith.constant dense<0.000000e+00> : vector<512xf32>
    %reduce_sum3A_47 = vector.multi_reduction <add>, %add3A_46, %reduce_sum3A [1] : vector<512x768xf32> to vector<512xf32>
    %broadcast_in_dim3A = vector.shape_cast %reduce_sum3A_47 : vector<512xf32> to vector<512x1xf32>
    %div3A = arith.constant 7.680000e+02 : f32
    %div3A_48 = vector.broadcast %div3A : f32 to vector<512x1xf32>
    %div3A_49 = arith.divf %broadcast_in_dim3A, %div3A_48 : vector<512x1xf32>
    %mul3A = arith.mulf %add3A_46, %add3A_46 : vector<512x768xf32>
    %reduce_sum3A_50 = arith.constant dense<0.000000e+00> : vector<512xf32>
    %reduce_sum3A_51 = vector.multi_reduction <add>, %mul3A, %reduce_sum3A_50 [1] : vector<512x768xf32> to vector<512xf32>
    %broadcast_in_dim3A_52 = vector.shape_cast %reduce_sum3A_51 : vector<512xf32> to vector<512x1xf32>
    %div3A_53 = arith.constant 7.680000e+02 : f32
    %div3A_54 = vector.broadcast %div3A_53 : f32 to vector<512x1xf32>
    %div3A_55 = arith.divf %broadcast_in_dim3A_52, %div3A_54 : vector<512x1xf32>
    %mul3A_56 = arith.mulf %div3A_49, %div3A_49 : vector<512x1xf32>
    %sub3A = arith.subf %div3A_55, %mul3A_56 : vector<512x1xf32>
    %add3A_57 = arith.constant 9.99999997E-7 : f32
    %add3A_58 = vector.broadcast %add3A_57 : f32 to vector<512x1xf32>
    %add3A_59 = arith.addf %sub3A, %add3A_58 : vector<512x1xf32>
    %rsqrt3A = math.rsqrt %add3A_59 : vector<512x1xf32>
    %mul3A_60 = vector.broadcast %rsqrt3A : vector<512x1xf32> to vector<512x768xf32>
    %mul3A_61 = vector.broadcast %get3A_25 : vector<1x768xf32> to vector<512x768xf32>
    %mul3A_62 = arith.mulf %mul3A_60, %mul3A_61 : vector<512x768xf32>
    %mul3A_63 = arith.mulf %add3A_46, %mul3A_62 : vector<512x768xf32>
    %mul3A_64 = vector.broadcast %div3A_49 : vector<512x1xf32> to vector<512x768xf32>
    %mul3A_65 = arith.mulf %mul3A_64, %mul3A_62 : vector<512x768xf32>
    %sub3A_66 = vector.broadcast %get3A_28 : vector<1x768xf32> to vector<512x768xf32>
    %sub3A_67 = arith.subf %sub3A_66, %mul3A_65 : vector<512x768xf32>
    %add3A_68 = arith.addf %mul3A_63, %sub3A_67 : vector<512x768xf32>
    %swap3A = arith.constant 0 : index
    %swap3A_69 = arith.constant 0 : index
    %swap3A_70 = vector.load %arg10[%swap3A, %swap3A_69] : memref<512x768xf32, #tpu.memory_space<vmem>>, vector<512x768xf32>
    tpu.vector_store %arg10[%swap3A, %swap3A_69], %add3A_68 {strides = array<i32>} : memref<512x768xf32, #tpu.memory_space<vmem>>, vector<512x768xf32>,
    return
  }
  func.func @transform_1(%arg0: i32) -> (i32, i32) {
    %c0_i32 = arith.constant 0 : i32
    %c0_i32_0 = arith.constant 0 : i32
    return %arg0, %c0_i32 : i32, i32
  }
  func.func @transform_2(%arg0: i32) -> (i32, i32, i32) {
    %c0_i32 = arith.constant 0 : i32
    %c0_i32_0 = arith.constant 0 : i32
    %c0_i32_1 = arith.constant 0 : i32
    return %arg0, %c0_i32, %c0_i32_0 : i32, i32, i32
  }
  func.func @transform_3(%arg0: i32) -> (i32, i32, i32) {
    %c0_i32 = arith.constant 0 : i32
    %c0_i32_0 = arith.constant 0 : i32
    %c0_i32_1 = arith.constant 0 : i32
    return %arg0, %c0_i32, %c0_i32_0 : i32, i32, i32
  }
  func.func @transform_4(%arg0: i32) -> (i32, i32, i32) {
    %c0_i32 = arith.constant 0 : i32
    %c0_i32_0 = arith.constant 0 : i32
    %c0_i32_1 = arith.constant 0 : i32
    return %arg0, %c0_i32, %c0_i32_0 : i32, i32, i32
  }
  func.func @transform_5(%arg0: i32) -> (i32, i32) {
    %c0_i32 = arith.constant 0 : i32
    %c0_i32_0 = arith.constant 0 : i32
    %c0_i32_1 = arith.constant 0 : i32
    return %c0_i32, %c0_i32_0 : i32, i32
  }
  func.func @transform_6(%arg0: i32) -> (i32, i32) {
    %c0_i32 = arith.constant 0 : i32
    %c0_i32_0 = arith.constant 0 : i32
    %c0_i32_1 = arith.constant 0 : i32
    return %c0_i32, %c0_i32_0 : i32, i32
  }
  func.func @transform_7(%arg0: i32) -> (i32, i32) {
    %c0_i32 = arith.constant 0 : i32
    %c0_i32_0 = arith.constant 0 : i32
    %c0_i32_1 = arith.constant 0 : i32
    return %c0_i32, %c0_i32_0 : i32, i32
  }
  func.func @transform_8(%arg0: i32) -> (i32, i32) {
    %c0_i32 = arith.constant 0 : i32
    %c0_i32_0 = arith.constant 0 : i32
    %c0_i32_1 = arith.constant 0 : i32
    return %c0_i32, %c0_i32_0 : i32, i32
  }
  func.func @transform_9(%arg0: i32) -> (i32, i32) {
    %add3A = arith.constant 32 : i32
    %add3A_0 = arith.addi %add3A, %arg0 : i32
    %c0_i32 = arith.constant 0 : i32
    %c0_i32_1 = arith.constant 0 : i32
    return %add3A_0, %c0_i32 : i32, i32
  }
}

module attributes {stable_mosaic.version = 14 : i64} {
  func.func @_tc_body0(%arg0: i32, %arg1: memref<512x768xf32, #tpu.memory_space<vmem>>, %arg2: memref<1x1x512xi32, #tpu.memory_space<vmem>>, %arg3: memref<1x1x512xi32, #tpu.memory_space<vmem>>, %arg4: memref<1x1x512xi32, #tpu.memory_space<vmem>>, %arg5: memref<512x768xbf16, #tpu.memory_space<vmem>>, %arg6: memref<32x768xbf16, #tpu.memory_space<vmem>>, %arg7: memref<1x768xf32, #tpu.memory_space<vmem>>, %arg8: memref<1x768xf32, #tpu.memory_space<vmem>>, %arg9: memref<512x768xf32, #tpu.memory_space<vmem>>) attributes {dimension_semantics = [#tpu.dimension_semantics<arbitrary>], iteration_bounds = array<i64: 32>, scalar_prefetch = 0 : i64, scratch_operands = 0 : i64, tpu.core_type = #tpu.core_type<tc>, window_params = [{transform_indices = @transform_0, window_bounds = array<i64: 512, 768>}, {transform_indices = @transform_1, window_bounds = array<i64: 1, 1, 512>}, {transform_indices = @transform_2, window_bounds = array<i64: 1, 1, 512>}, {transform_indices = @transform_3, window_bounds = array<i64: 1, 1, 512>}, {pipeline_mode = #tpu.pipeline_mode<synchronous>, transform_indices = @transform_4, window_bounds = array<i64: 512, 768>}, {pipeline_mode = #tpu.pipeline_mode<synchronous>, transform_indices = @transform_5, window_bounds = array<i64: 32, 768>}, {pipeline_mode = #tpu.pipeline_mode<synchronous>, transform_indices = @transform_6, window_bounds = array<i64: 1, 768>}, {pipeline_mode = #tpu.pipeline_mode<synchronous>, transform_indices = @transform_7, window_bounds = array<i64: 1, 768>}, {transform_indices = @transform_8, window_bounds = array<i64: 512, 768>}]} {
    %get3A = arith.constant 0 : index
    %get3A_0 = arith.constant 0 : index
    %get3A_1 = vector.load %arg1[%get3A, %get3A_0] : memref<512x768xf32, #tpu.memory_space<vmem>>, vector<512x768xf32>
    %get3A_2 = arith.constant 0 : index
    %get3A_3 = arith.constant 0 : index
    %get3A_4 = arith.constant 0 : index
    %get3A_5 = vector.load %arg2[%get3A_2, %get3A_3, %get3A_4] : memref<1x1x512xi32, #tpu.memory_space<vmem>>, vector<1x1x512xi32>
    %get3A_6 = vector.shape_cast %get3A_5 : vector<1x1x512xi32> to vector<1x512xi32>
    %get3A_7 = arith.constant 0 : index
    %get3A_8 = arith.constant 0 : index
    %get3A_9 = arith.constant 0 : index
    %get3A_10 = vector.load %arg3[%get3A_7, %get3A_8, %get3A_9] : memref<1x1x512xi32, #tpu.memory_space<vmem>>, vector<1x1x512xi32>
    %get3A_11 = vector.shape_cast %get3A_10 : vector<1x1x512xi32> to vector<1x512xi32>
    %get3A_12 = arith.constant 0 : index
    %get3A_13 = arith.constant 0 : index
    %get3A_14 = arith.constant 0 : index
    %get3A_15 = vector.load %arg4[%get3A_12, %get3A_13, %get3A_14] : memref<1x1x512xi32, #tpu.memory_space<vmem>>, vector<1x1x512xi32>
    %get3A_16 = vector.shape_cast %get3A_15 : vector<1x1x512xi32> to vector<1x512xi32>
    %get3A_17 = arith.constant 0 : index
    %get3A_18 = arith.constant 0 : index
    %get3A_19 = vector.load %arg5[%get3A_17, %get3A_18] : memref<512x768xbf16, #tpu.memory_space<vmem>>, vector<512x768xbf16>
    %get3A_20 = arith.constant 0 : index
    %get3A_21 = arith.constant 0 : index
    %get3A_22 = vector.load %arg6[%get3A_20, %get3A_21] : memref<32x768xbf16, #tpu.memory_space<vmem>>, vector<32x768xbf16>
    %get3A_23 = arith.constant 0 : index
    %get3A_24 = arith.constant 0 : index
    %get3A_25 = vector.load %arg7[%get3A_23, %get3A_24] : memref<1x768xf32, #tpu.memory_space<vmem>>, vector<1x768xf32>
    %get3A_26 = arith.constant 0 : index
    %get3A_27 = arith.constant 0 : index
    %get3A_28 = vector.load %arg8[%get3A_26, %get3A_27] : memref<1x768xf32, #tpu.memory_space<vmem>>, vector<1x768xf32>
    %iota3A = tpu.iota {dimensions = array<i32: 0>} : vector<512x512xi32>
    %eq3A = vector.broadcast %get3A_6 : vector<1x512xi32> to vector<512x512xi32>
    %eq3A_29 = arith.cmpi eq, %iota3A, %eq3A : vector<512x512xi32>
    %convert_element_type3A = arith.extui %eq3A_29 : vector<512x512xi1> to vector<512x512xi32>
    %convert_element_type3A_30 = arith.sitofp %convert_element_type3A : vector<512x512xi32> to vector<512x512xf32>
    %convert_element_type3A_31 = arith.truncf %convert_element_type3A_30 : vector<512x512xf32> to vector<512x512xbf16>
    %iota3A_32 = tpu.iota {dimensions = array<i32: 0>} : vector<32x512xi32>
    %eq3A_33 = vector.broadcast %get3A_11 : vector<1x512xi32> to vector<32x512xi32>
    %eq3A_34 = arith.cmpi eq, %iota3A_32, %eq3A_33 : vector<32x512xi32>
    %add3A = arith.constant 3 : i32
    %add3A_35 = vector.broadcast %add3A : i32 to vector<1x512xi32>
    %add3A_36 = arith.addi %get3A_16, %add3A_35 : vector<1x512xi32>
    %eq3A_37 = vector.broadcast %add3A_36 : vector<1x512xi32> to vector<32x512xi32>
    %eq3A_38 = arith.cmpi eq, %iota3A_32, %eq3A_37 : vector<32x512xi32>
    %or3A = arith.ori %eq3A_34, %eq3A_38 : vector<32x512xi1>
    %convert_element_type3A_39 = arith.extui %or3A : vector<32x512xi1> to vector<32x512xi32>
    %convert_element_type3A_40 = arith.sitofp %convert_element_type3A_39 : vector<32x512xi32> to vector<32x512xf32>
    %convert_element_type3A_41 = arith.truncf %convert_element_type3A_40 : vector<32x512xf32> to vector<32x512xbf16>
    %dot_general3A = arith.constant dense<0.000000e+00> : vector<512x768xf32>
    %dot_general3A_42 = tpu.matmul %convert_element_type3A_31, %get3A_19, %dot_general3A {dimension_numbers = #tpu.dot_dimension_numbers<[0], [0], [1], [1], [0, 1, 1, 1], [], []>, transpose_lhs_hint = false} : vector<512x512xbf16>, vector<512x768xbf16>, vector<512x768xf32> -> vector<512x768xf32>
    %dot_general3A_43 = arith.constant dense<0.000000e+00> : vector<512x768xf32>
    %dot_general3A_44 = tpu.matmul %convert_element_type3A_41, %get3A_22, %dot_general3A_43 {dimension_numbers = #tpu.dot_dimension_numbers<[0], [0], [1], [1], [0, 1, 1, 1], [], []>, transpose_lhs_hint = false} : vector<32x512xbf16>, vector<32x768xbf16>, vector<512x768xf32> -> vector<512x768xf32>
    %add3A_45 = arith.addf %dot_general3A_42, %dot_general3A_44 : vector<512x768xf32>
    %add3A_46 = arith.addf %get3A_1, %add3A_45 : vector<512x768xf32>
    %reduce_sum3A = arith.constant dense<0.000000e+00> : vector<512xf32>
    %reduce_sum3A_47 = vector.multi_reduction <add>, %add3A_46, %reduce_sum3A [1] : vector<512x768xf32> to vector<512xf32>
    %broadcast_in_dim3A = vector.shape_cast %reduce_sum3A_47 : vector<512xf32> to vector<512x1xf32>
    %div3A = arith.constant 7.680000e+02 : f32
    %div3A_48 = vector.broadcast %div3A : f32 to vector<512x1xf32>
    %div3A_49 = arith.divf %broadcast_in_dim3A, %div3A_48 : vector<512x1xf32>
    %mul3A = arith.mulf %add3A_46, %add3A_46 : vector<512x768xf32>
    %reduce_sum3A_50 = arith.constant dense<0.000000e+00> : vector<512xf32>
    %reduce_sum3A_51 = vector.multi_reduction <add>, %mul3A, %reduce_sum3A_50 [1] : vector<512x768xf32> to vector<512xf32>
    %broadcast_in_dim3A_52 = vector.shape_cast %reduce_sum3A_51 : vector<512xf32> to vector<512x1xf32>
    %div3A_53 = arith.constant 7.680000e+02 : f32
    %div3A_54 = vector.broadcast %div3A_53 : f32 to vector<512x1xf32>
    %div3A_55 = arith.divf %broadcast_in_dim3A_52, %div3A_54 : vector<512x1xf32>
    %mul3A_56 = arith.mulf %div3A_49, %div3A_49 : vector<512x1xf32>
    %sub3A = arith.subf %div3A_55, %mul3A_56 : vector<512x1xf32>
    %add3A_57 = arith.constant 9.99999997E-7 : f32
    %add3A_58 = vector.broadcast %add3A_57 : f32 to vector<512x1xf32>
    %add3A_59 = arith.addf %sub3A, %add3A_58 : vector<512x1xf32>
    %rsqrt3A = math.rsqrt %add3A_59 : vector<512x1xf32>
    %mul3A_60 = vector.broadcast %rsqrt3A : vector<512x1xf32> to vector<512x768xf32>
    %mul3A_61 = vector.broadcast %get3A_25 : vector<1x768xf32> to vector<512x768xf32>
    %mul3A_62 = arith.mulf %mul3A_60, %mul3A_61 : vector<512x768xf32>
    %mul3A_63 = arith.mulf %add3A_46, %mul3A_62 : vector<512x768xf32>
    %mul3A_64 = vector.broadcast %div3A_49 : vector<512x1xf32> to vector<512x768xf32>
    %mul3A_65 = arith.mulf %mul3A_64, %mul3A_62 : vector<512x768xf32>
    %sub3A_66 = vector.broadcast %get3A_28 : vector<1x768xf32> to vector<512x768xf32>
    %sub3A_67 = arith.subf %sub3A_66, %mul3A_65 : vector<512x768xf32>
    %add3A_68 = arith.addf %mul3A_63, %sub3A_67 : vector<512x768xf32>
    %swap3A = arith.constant 0 : index
    %swap3A_69 = arith.constant 0 : index
    %swap3A_70 = vector.load %arg9[%swap3A, %swap3A_69] : memref<512x768xf32, #tpu.memory_space<vmem>>, vector<512x768xf32>
    tpu.vector_store %arg9[%swap3A, %swap3A_69], %add3A_68 {strides = array<i32>} : memref<512x768xf32, #tpu.memory_space<vmem>>, vector<512x768xf32>,
    return
  }
  func.func @transform_0(%arg0: i32) -> (i32, i32) {
    %c0_i32 = arith.constant 0 : i32
    %c0_i32_0 = arith.constant 0 : i32
    return %arg0, %c0_i32 : i32, i32
  }
  func.func @transform_1(%arg0: i32) -> (i32, i32, i32) {
    %c0_i32 = arith.constant 0 : i32
    %c0_i32_0 = arith.constant 0 : i32
    %c0_i32_1 = arith.constant 0 : i32
    return %arg0, %c0_i32, %c0_i32_0 : i32, i32, i32
  }
  func.func @transform_2(%arg0: i32) -> (i32, i32, i32) {
    %c0_i32 = arith.constant 0 : i32
    %c0_i32_0 = arith.constant 0 : i32
    %c0_i32_1 = arith.constant 0 : i32
    return %arg0, %c0_i32, %c0_i32_0 : i32, i32, i32
  }
  func.func @transform_3(%arg0: i32) -> (i32, i32, i32) {
    %c0_i32 = arith.constant 0 : i32
    %c0_i32_0 = arith.constant 0 : i32
    %c0_i32_1 = arith.constant 0 : i32
    return %arg0, %c0_i32, %c0_i32_0 : i32, i32, i32
  }
  func.func @transform_4(%arg0: i32) -> (i32, i32) {
    %c0_i32 = arith.constant 0 : i32
    %c0_i32_0 = arith.constant 0 : i32
    %c0_i32_1 = arith.constant 0 : i32
    return %c0_i32, %c0_i32_0 : i32, i32
  }
  func.func @transform_5(%arg0: i32) -> (i32, i32) {
    %c0_i32 = arith.constant 0 : i32
    %c0_i32_0 = arith.constant 0 : i32
    %c0_i32_1 = arith.constant 0 : i32
    return %c0_i32, %c0_i32_0 : i32, i32
  }
  func.func @transform_6(%arg0: i32) -> (i32, i32) {
    %c0_i32 = arith.constant 0 : i32
    %c0_i32_0 = arith.constant 0 : i32
    %c0_i32_1 = arith.constant 0 : i32
    return %c0_i32, %c0_i32_0 : i32, i32
  }
  func.func @transform_7(%arg0: i32) -> (i32, i32) {
    %c0_i32 = arith.constant 0 : i32
    %c0_i32_0 = arith.constant 0 : i32
    %c0_i32_1 = arith.constant 0 : i32
    return %c0_i32, %c0_i32_0 : i32, i32
  }
  func.func @transform_8(%arg0: i32) -> (i32, i32) {
    %c0_i32 = arith.constant 0 : i32
    %c0_i32_0 = arith.constant 0 : i32
    return %arg0, %c0_i32 : i32, i32
  }
}

</mosaic_0001>

<sc_bundles>
// kernel: kernel.6.cloned.1.call-start
scs
__scs_entry_jumppad:
0x0: {  	(pc) =	sbr.rel $0x88, $3  }
0x1: {  	(tag) =	ssettag $0x0;
	lr =	simm.s32 $0x1  }
0x2: {  	[smem:$0x3F97] =	sst lr;
	_ =	strace $0xD0000000  }
0x3: {  	_ = 	snop  }
0x4: {  	_ = 	snop  }
0x5: {  	_ = 	snop  }
0x6: {  	_ = 	snop  }
0x7: {  	_ = 	snop  }
__scs_overlays_trampoline_lowered:
0x8: {  	[smem:$0x3FA6] =	sst s0  }
0x9: {  	[smem:$0x3FA7] =	sst s1  }
0xa: {  	[smem:$0x3FA8] =	sst s2  }
0xb: {  	[smem:$0x3FA9] =	sst s3  }
0xc: {  	[smem:$0x3FAA] =	sst s4  }
0xd: {  	[smem:$0x3FAB] =	sst s5  }
0xe: {  	[smem:$0x3FAC] =	sst s6  }
0xf: {  	[smem:$0x3FAD] =	sst s7  }
0x10: {  	[smem:$0x3FAE] =	sst s8  }
0x11: {  	[smem:$0x3FAF] =	sst s9;
	s0 =	simm.s32 @!p0 $0x0  }
0x12: {  	s1 =	sld [smem:$0x3F95];
	s0 =	simm.s32 @p0 $0x1  }
0x13: {  	[smem:$0x3FB0] =	sst s0;
	s0 =	simm.s32 @!p1 $0x0  }
0x14: {  	s2 =	sld [smem:$0x3F94];
	s0 =	simm.s32 @p1 $0x1  }
0x15: {  	[smem:$0x3FB1] =	sst s0;
	s0 =	simm.s32 @!p2 $0x0  }
0x16: {  	s3 =	sld [smem:$0x3FDB];
	s0 =	simm.s32 @p2 $0x1  }
0x17: {  	s4 =	simm.s32 $0x1BF5;
	[smem:$0x3FB3] =	sst s0  }
0x18: {  	s0 =	sld [smem:$0x3F96];
	_ =	swait.ge [sflag:s4], $0x0  }
0x19: {  	s7 =	sld [smem:$0x3F97]  }
0x1a: {  	s8 =	sadd.s32 $0xFFFFE003, lr  }
0x1b: {  	s9 =	sadd.s32 $0xFFFFFEF7, lr;
	s5 =	simm.s32 $0xFFFFFFFF;
	p2 =	slt.u32 s8, $0xFFFFF086  }
0x1c: {  	p1 =	slt.u32 s9, $0xF7A;
	s5 =	simm.s32 @!p2 $0x0  }
0x1d: {  	s5 =	simm.s32 @p1 $0x1;
	p0 =	seq.s32 s7, s2  }
0x1e: {  	s7 =	smul.u32 @!p0 $0xF7A, s2;
	p2 =	seq.s32 @!p0 s5, $0x0  }
0x1f: {  	s9 =	smul.u32 $0xF7A, s1;
	s8 =	simm.s32 @!p0 $0x1BF5;
	p2 =	por !p2, p0  }
0x20: {  	[sflag:s8] =	ssyncset.s32 @!p0 $0xFFFFF086;
	s6 =	sadd.s32 @!p0 s3, s7;
	s7 =	simm.s32 @!p0 $0x108  }
0x21: {  	s3 =	sadd.s32 s3, s9;
	s6 =	sadd.s32 @!p0 $0x88, s6;
	s7 =	simm.s32 @p2 $0x1082  }
0x22: {  	[simem:s7], [sflag:s8] =	dma.local @!p0 [hbm:s6], $0xF7A  }
0x23: {  	s9 =	sor.u32 $0xD0000000, s2;
	s6 =	simm.s32 $0x108;
	_ =	swait.ge @!p0 [sflag:s8], $0x0  }
0x24: {  	s3 =	sadd.s32 $0x88, s3;
	s6 =	simm.s32 @!p1 $0x1082;
	[sflag:s4] =	ssyncset.s32 $0xFFFFF086  }
0x25: {  	[simem:s6], [sflag:s4] =	dma.local [hbm:s3], $0xF7A  }
0x26: {  	[smem:$0x3F97] =	sst s1;
	(tag) =	ssettag s2;
	_ =	strace s9  }
0x27: {  	s1 =	sld [smem:$0x3FA7]  }
0x28: {  	s2 =	sld [smem:$0x3FA8]  }
0x29: {  	s4 =	sld [smem:$0x3FAA]  }
0x2a: {  	p0 =	seq.s32 s5, $0x0;
	s5 =	sld [smem:$0x3FAB]  }
0x2b: {  	s6 =	sld [smem:$0x3FAC]  }
0x2c: {  	s7 =	sld [smem:$0x3FAD]  }
0x2d: {  	s3 =	simm.s32 $0x108;
	s8 =	sld [smem:$0x3FAE]  }
0x2e: {  	s3 =	simm.s32 @!p0 $0x1082;
	s9 =	sld [smem:$0x3FAF]  }
0x2f: {  	lr =	sadd.s32 s0, s3;
	s0 =	sld [smem:$0x3FA6]  }
0x30: {  	s3 =	sld [smem:$0x3FA9]  }
0x31: {  	[smem:$0x3FB2] =	sst s10  }
0x32: {  	s10 =	sld [smem:$0x3FB0];
	_ =	sdelay $0x3  }
0x33: {  	p0 =	seq.s32 s10, $0x1;
	s10 =	sld [smem:$0x3FB2];
	_ =	sdelay $0x3  }
0x34: {  	[smem:$0x3FB2] =	sst s10  }
0x35: {  	s10 =	sld [smem:$0x3FB1];
	_ =	sdelay $0x3  }
0x36: {  	p1 =	seq.s32 s10, $0x1;
	s10 =	sld [smem:$0x3FB2];
	_ =	sdelay $0x3  }
0x37: {  	[smem:$0x3FB2] =	sst s10  }
0x38: {  	s10 =	sld [smem:$0x3FB3]  }
0x39: {  	_ = 	snop;
	(pc) =	sbr.ind lr, $3  }
0x3a: {  	_ = 	snop  }
0x3b: {  	_ = 	snop  }
0x3c: {  	p2 =	seq.s32 s10, $0x1;
	s10 =	sld [smem:$0x3FB2]  }
0x3d: {  	_ =	shalt  }
0x3e: {  	_ =	shalt  }
0x3f: {  	_ =	shalt  }
0x40: {  	_ =	shalt  }
0x41: {  	_ =	shalt  }
0x42: {  	_ =	shalt  }
0x43: {  	_ =	shalt  }
0x44: {  	_ =	shalt  }
0x45: {  	_ =	shalt  }
0x46: {  	_ =	shalt  }
0x47: {  	_ =	shalt  }
0x48: {  	_ =	shalt  }
0x49: {  	_ =	shalt  }
0x4a: {  	_ =	shalt  }
0x4b: {  	_ =	shalt  }
0x4c: {  	_ =	shalt  }
0x4d: {  	_ =	shalt  }
0x4e: {  	_ =	shalt  }
0x4f: {  	_ =	shalt  }
0x50: {  	_ =	shalt  }
0x51: {  	_ =	shalt  }
0x52: {  	_ =	shalt  }
0x53: {  	_ =	shalt  }
0x54: {  	_ =	shalt  }
0x55: {  	_ =	shalt  }
0x56: {  	_ =	shalt  }
0x57: {  	_ =	shalt  }
0x58: {  	_ =	shalt  }
0x59: {  	_ =	shalt  }
0x5a: {  	_ =	shalt  }
0x5b: {  	_ =	shalt  }
0x5c: {  	_ =	shalt  }
0x5d: {  	_ =	shalt  }
0x5e: {  	_ =	shalt  }
0x5f: {  	_ =	shalt  }
0x60: {  	_ =	shalt  }
0x61: {  	_ =	shalt  }
0x62: {  	_ =	shalt  }
0x63: {  	_ =	shalt  }
0x64: {  	_ =	shalt  }
0x65: {  	_ =	shalt  }
0x66: {  	_ =	shalt  }
0x67: {  	_ =	shalt  }
0x68: {  	_ =	shalt  }
0x69: {  	_ =	shalt  }
0x6a: {  	_ =	shalt  }
0x6b: {  	_ =	shalt  }
0x6c: {  	_ =	shalt  }
0x6d: {  	_ =	shalt  }
0x6e: {  	_ =	shalt  }
0x6f: {  	_ =	shalt  }
0x70: {  	_ =	shalt  }
0x71: {  	_ =	shalt  }
0x72: {  	_ =	shalt  }
0x73: {  	_ =	shalt  }
0x74: {  	_ =	shalt  }
0x75: {  	_ =	shalt  }
0x76: {  	_ =	shalt  }
0x77: {  	_ =	shalt  }
0x78: {  	_ =	shalt  }
0x79: {  	_ =	shalt  }
0x7a: {  	_ =	shalt  }
0x7b: {  	_ =	shalt  }
0x7c: {  	_ =	shalt  }
0x7d: {  	_ =	shalt  }
0x7e: {  	_ =	shalt  }
0x7f: {  	_ =	shalt  }
0x80: {  	_ =	shalt  }
0x81: {  	_ =	shalt  }
0x82: {  	_ =	shalt  }
0x83: {  	_ =	shalt  }
0x84: {  	_ =	shalt  }
0x85: {  	_ =	shalt  }
0x86: {  	_ =	shalt  }
0x87: {  	_ =	shalt  }
.Lfunc_end0:
.L_simem_size_0:
called_computation_lowered:
.L_overlay_start_0:
0x88: {  	s2 =	sld [smem:$0x3FD9]  }
0x89: {  	s3 =	sld [smem:$0x3FFE];
	_ =	sdelay $0x1  }
0x8a: {  	s1 =	srdreg.scid  }
0x8b: {  	s0 =	sand.u32 $0x1, s1  }
0x8c: {  	s17 =	sshll.u32 s0, $0xA;
	s2 =	sadd.s32 s3, s2  }
0x8d: {  	s2 =	sadd.s32 s2, s17  }
0x8e: {  	[smem:$0x3FBE] =	sst s2  }
0x8f: {  	_ = 	snop  }
0x90: {  	s2 =	sld [smem:$0x3FC5]  }
0x91: {  	s18 =	sld [smem:$0x3FD0];
	(tm) =	ssettm $0x1  }
0x92: {  	s4 =	sld [smem:$0x3FFB];
	_ =	sdelay $0x3  }
0x93: {  	_ =	strace s4  }
0x94: {  	s4 =	sld [smem:$0x3FFC];
	_ =	sdelay $0x3  }
0x95: {  	_ =	strace s4  }
0x96: {  	s4 =	sld [smem:$0x3FFD];
	_ =	sdelay $0x3  }
0x97: {  	_ =	strace s4  }
0x98: {  	_ =	strace $0x8FFFFFFF  }
0x99: {  	s19 =	sld [smem:$0x3FDB];
	_ =	sdelay $0x1  }
0x9a: {  	s5 =	simm.s32 $_scs_section_size  }
0x9b: {  	s6 =	simm.s32 $_size__tile_overlayer_lowered;
	s7 =	simm.s32 $_tile_overlayer_lowered  }
0x9c: {  	s22 =	simm.s32 $0x1BFF;
	s21 =	sshll.u32 s7, $0x1;
	s4 =	sadd.s32 s5, s19  }
0x9d: {  	s8 =	simm.s32 $0x0;
	s20 =	sshll.u32 s6, $0x1;
	s6 =	sadd.s32 s21, s4  }
0x9e: {  	[timem:s8], [sflag:s22] =	dma.local [hbm:s6], s20  }
0x9f: {  	_ =	swait.ge [sflag:s22], s20  }
0xa0: {  	s5 =	ssub.s32 $0x0, s20;
	[sflag:s22] =	ssyncset.done $0x0  }
0xa1: {  	[sflag:s22] =	ssyncadd.s32 s5;
	_ =	sdelay $0x1  }
0xa2: {  	s23 =	simm.s32 $0x1B8B  }
0xa3: {  	_ =	swait.ge [sflag:s23], $0x1  }
0xa4: {  	[sflag:s23] =	ssyncset.done $0x0  }
0xa5: {  	s25 =	simm.s32 $0x1B8E;
	s24 =	sld [smem:$0x3FFE];
	[sflag:s23] =	ssyncadd.s32 $0xFFFFFFFF  }
0xa6: {  	s26 =	simm.s32 $execute0_lowered;
	[smem:$0x3FD2] =	sst s25  }
0xa7: {  	s6 =	sshll.u32 s26, $0x1;
	_ =	strace $0x80000046;
	[dreg:$0x1] =	wrdreg $0xFFFFFFFF  }
0xa8: {  	s28 =	simm.s32 $_size_execute0_lowered;
	s4 =	sadd.s32 s4, s6;
	[dreg:$0x0] =	wrdreg $0x0  }
0xa9: {  	s6 =	sshll.u32 s28, $0x1;
	[dreg:$0x2] =	wrdreg s4  }
0xaa: {  	[dreg:$0x3] =	wrdreg s6  }
0xab: {  	[dreg:$0x4] =	wrdreg $0xC0  }
0xac: {  	_ =	task [dreg:s8], $0x5FFFF  }
0xad: {  	[dreg:$0x1] =	wrdreg $0xFFFFFFFF  }
0xae: {  	[dreg:$0x0] =	wrdreg $0x60  }
0xaf: {  	[dreg:$0x2] =	wrdreg s18  }
0xb0: {  	[dreg:$0x3] =	wrdreg s2  }
0xb1: {  	[dreg:$0x4] =	wrdreg s24  }
0xb2: {  	[dreg:$0x5] =	wrdreg $0x9  }
0xb3: {  	_ =	task.clear_ibuf [dreg:s8], $0x6FFFF;
	_ =	strace $0x90000046  }
0xb4: {  	s29 =	simm.s32 $0x9;
	_ =	strace $0x80000048  }
0xb5: {  	_ =	swait.ge [sflag:s29], $0x1  }
0xb6: {  	[sflag:s29] =	ssyncadd.s32 $0xFFFFFFFF  }
0xb7: {  	_ =	strace $0x90000048  }
0xb8: {  	_ =	sfence  }
0xb9: {  	s30 =	sld [smem:$0x0];
	_ =	sdelay $0x2  }
0xba: {  	s31 =	sshll.u32 s1, $0xD;
	s1 =	sshrl.u32 s1, $0x2  }
0xbb: {  	s3 =	sand.u32 $0x4000, s31;
	s1 =	sadd.s32 s1, s30  }
0xbc: {  	s0 =	sor.u32 s3, s0;
	s1 =	sshll.u32 s1, $0x11  }
0xbd: {  	s0 =	sor.u32 s1, s0  }
0xbe: {  	s0 =	sadd.s32 $0x8F2B, s0  }
0xbf: {  	[sflag:s0] =	ssyncadd.remote.s32 $0x1  }
0xc0: {  	_ =	sfence.sel $0xFFFF  }
0xc1: {  	[dreg:$0x0] =	wrdreg $0xFFFFFFFF;
	(pc) =	sbr.abs _section_cstart, $3  }
0xc2: {  	[dreg:$0x1] =	wrdreg $0xFFFFFFFF  }
0xc3: {  	_ =	task.clear_ibuf [dreg:s8], $0x2FFFF;
	_ =	strace $0x9FFFFFFF  }
0xc4: {  	(tm) =	ssettm $0x7FFFFFFF  }
0xc5: {  	_ =	shalt  }
tec
execute0_lowered:
.L_overlay_start_1:
0x0: {  	(tag) =	ssettag $0x1  }
0x1: {  	s0 =	rddreg [dreg:$0x0]  }
0x2: {  	s1 =	srdreg.scid;
	s2 =	rddreg [dreg:$0x1]  }
0x3: {  	s8 =	stileid.u32;
	s4 =	rddreg [dreg:$0x2]  }
0x4: {  	s3 =	simm.s32 $0x0;
	s10 =	simm.s32 $0x400;
	s23 =	simm.s32 $0x6C00  }
0x5: {  	s28 =	simm.s32 $0x8C00;
	s29 =	simm.s32 $0x9400;
	s30 =	simm.s32 $0x9C00  }
0x6: {  	s31 =	simm.s32 $0xA400;
	s9 =	simm.s32 $0x14C00;
	s15 =	simm.s32 $0x15400  }
0x7: {  	s12 =	simm.s32 $0x15C00;
	s16 =	simm.s32 $0x16400;
	s17 =	simm.s32 $0x16C00  }
0x8: {  	s13 =	simm.s32 $0x17400;
	s18 =	simm.s32 $0x17C00;
	s11 =	simm.s32 $0x1  }
0x9: {  	s19 =	simm.s32 $0x0;
	s1 =	sand.u32 $0x1, s1;
	s5 =	sshll.u32 s8, $0xA  }
0xa: {  	[smem:$0x7FF] =	sst s3;
	s8 =	sshll.u32 s8, $0x8;
	s6 =	sshll.u32 s1, $0x9  }
0xb: {  	_ =	strace $0x80000047;
	s24 =	ssub.s32 $0x2, s1;
	s1 =	sshll.u32 s1, $0x7  }
0xc: {  	s5 =	sor.u32 s6, s5;
	s7 =	sshrl.u32 s24, $0x1;
	s1 =	sor.u32 s1, s8  }
0xd: {  	s6 =	sadd.s32 $0x200, s2;
	s8 =	simm.s32 $0xC400;
	s5 =	sshrl.u32 s5, $0x3  }
0xe: {  	s7 =	ssub.s32 s24, s7;
	s0 =	sadd.s32 s0, s1;
	s5 =	smul.u32 $0x300, s5  }
.Ltmp0:
0xf: {  	s24 =	simm.s32 $0x7400;
	s1 =	simm.s32 $0xAC00;
	(pc) =	sbr.rel .LBB2_1-.Ltmp0, $4  }
0x10: {  	[dreg:$0x4] =	wrdreg s0;
	s25 =	smax.u32 s7, $0x1;
	s0 =	simm.s32 $0xB400  }
0x11: {  	v2 =	vlaneseq.u32;
	s7 =	simm.s32 $0x2;
	[dreg:$0x5] =	wrdreg s25;
	s4 =	sadd.s32 s5, s4  }
0x12: {  	vm0 =	vmmov $0xffff;
	v1 =	vshrl.u32 v2, $0x3;
	v0 =	vand.u32 $0x7, v2;
	s25 =	simm.s32 $0x7C00;
	s5 =	sadd.s32 $0x100, s2;
	s26 =	sadd.s32 $0x2800, s4  }
0x13: {  	v2 =	vor.u32 $0x8, v2;
	v1 =	vmul.u32 $0x8, v1;
	v3 =	vor.u32 $0x8, v0;
	s4 =	simm.s32 $0xBC00;
	[dreg:$0x6] =	wrdreg s26;
	s26 =	simm.s32 $0x8400  }
.LBB2_7:
0x14: {  	s19 =	sadd.s32 $0x1, s19;
	s14 =	rddreg [dreg:$0x5]  }
0x15: {  	p0 =	sne.s32 s19, s14  }
.Ltmp1:
0x16: {  	_ = 	snop;
	(pc) =	sbr.rel @!p0 .LBB2_8-.Ltmp1, $1  }
0x17: {  	_ =	sdelay $0x3  }
.LBB2_1:
0x18: {  	s14 =	rddreg [dreg:$0x4];
	s22 =	simm.s32 $0x3  }
0x19: {  	[tilespmem:s3], [sflag:$0x3] =	stream.linear.gather [hbm4b:s14+s3], $0x400, $0x38;
	[tilespmem:$0x18400] =	vst v63  }
0x1a: {  	_ =	swait.ge [sflag:s22], $0x400  }
0x1b: {  	[sflag:s22] =	ssyncset.done $0x0  }
0x1c: {  	[sflag:s22] =	ssyncadd.s32 $0xFFFFFC00  }
0x1d: {  	v4 =	vld [tilespmem:$0x0];
	_ =	sdelay $0x4  }
0x1e: {  	v5 =	vshrl.u32 v4, $0x3  }
0x1f: {  	v5 =	vmul.u32 $0x30, v5  }
0x20: {  	v4 =	vand.u32 $0x7, v4  }
0x21: {  	v4 =	vor.u32 v4, v5  }
0x22: {  	v5 =	vperm.xlane v4, v0;
	_ =	sdelay $0x1  }
0x23: {  	v5 =	vadd.s32 v1, v5;
	_ =	sdelay $0x3  }
0x24: {  	v4 =	vperm.xlane v4, v2  }
0x25: {  	[tilespmem:s10], [sflag:$0x1] =	stream.indirect_vreg.gather [hbm4b:s2+s3], $0x80, v5, vm0, $0xb8;
	[tilespmem:$0x18400] =	vst v63  }
0x26: {  	s20 =	simm.s32 $0xC00;
	v4 =	vadd.s32 v1, v4  }
0x27: {  	[tilespmem:s20], [sflag:$0x1] =	stream.indirect_vreg.gather [hbm4b:s5+s3], $0x80, v5, vm0, $0xb8;
	[tilespmem:$0x18400] =	vst v63  }
0x28: {  	s21 =	simm.s32 $0x1400  }
0x29: {  	[tilespmem:s21], [sflag:$0x1] =	stream.indirect_vreg.gather [hbm4b:s6+s3], $0x80, v5, vm0, $0xb8;
	[tilespmem:$0x18400] =	vst v63  }
0x2a: {  	s22 =	simm.s32 $0x1C00  }
0x2b: {  	[tilespmem:s22], [sflag:$0x1] =	stream.indirect_vreg.gather [hbm4b:s2+s3], $0x80, v4, vm0, $0xb8;
	[tilespmem:$0x18400] =	vst v63  }
0x2c: {  	s20 =	simm.s32 $0x2400  }
0x2d: {  	[tilespmem:s20], [sflag:$0x1] =	stream.indirect_vreg.gather [hbm4b:s5+s3], $0x80, v4, vm0, $0xb8;
	[tilespmem:$0x18400] =	vst v63  }
0x2e: {  	s21 =	simm.s32 $0x2C00  }
0x2f: {  	[tilespmem:s21], [sflag:$0x1] =	stream.indirect_vreg.gather [hbm4b:s6+s3], $0x80, v4, vm0, $0xb8;
	[tilespmem:$0x18400] =	vst v63  }
0x30: {  	v4 =	vld [tilespmem:$0x10];
	_ =	sdelay $0x4  }
0x31: {  	v5 =	vshrl.u32 v4, $0x3  }
0x32: {  	v5 =	vmul.u32 $0x30, v5  }
0x33: {  	v4 =	vand.u32 $0x7, v4  }
0x34: {  	v4 =	vor.u32 v4, v5  }
0x35: {  	v5 =	vperm.xlane v4, v0;
	_ =	sdelay $0x1  }
0x36: {  	v5 =	vadd.s32 v1, v5;
	_ =	sdelay $0x3  }
0x37: {  	s22 =	simm.s32 $0x3400;
	v4 =	vperm.xlane v4, v2  }
0x38: {  	[tilespmem:s22], [sflag:$0x1] =	stream.indirect_vreg.gather [hbm4b:s2+s3], $0x80, v5, vm0, $0xb8;
	[tilespmem:$0x18400] =	vst v63  }
0x39: {  	s20 =	simm.s32 $0x3C00;
	v4 =	vadd.s32 v1, v4  }
0x3a: {  	[tilespmem:s20], [sflag:$0x1] =	stream.indirect_vreg.gather [hbm4b:s5+s3], $0x80, v5, vm0, $0xb8;
	[tilespmem:$0x18400] =	vst v63  }
0x3b: {  	s21 =	simm.s32 $0x4400  }
0x3c: {  	[tilespmem:s21], [sflag:$0x1] =	stream.indirect_vreg.gather [hbm4b:s6+s3], $0x80, v5, vm0, $0xb8;
	[tilespmem:$0x18400] =	vst v63  }
0x3d: {  	s22 =	simm.s32 $0x4C00  }
0x3e: {  	[tilespmem:s22], [sflag:$0x1] =	stream.indirect_vreg.gather [hbm4b:s2+s3], $0x80, v4, vm0, $0xb8;
	[tilespmem:$0x18400] =	vst v63  }
0x3f: {  	s20 =	simm.s32 $0x5400  }
0x40: {  	[tilespmem:s20], [sflag:$0x1] =	stream.indirect_vreg.gather [hbm4b:s5+s3], $0x80, v4, vm0, $0xb8;
	[tilespmem:$0x18400] =	vst v63  }
0x41: {  	s21 =	simm.s32 $0x5C00  }
0x42: {  	[tilespmem:s21], [sflag:$0x1] =	stream.indirect_vreg.gather [hbm4b:s6+s3], $0x80, v4, vm0, $0xb8;
	[tilespmem:$0x18400] =	vst v63  }
0x43: {  	v4 =	vld [tilespmem:$0x20];
	_ =	sdelay $0x4  }
0x44: {  	v5 =	vshrl.u32 v4, $0x3  }
0x45: {  	v5 =	vmul.u32 $0x30, v5  }
0x46: {  	v4 =	vand.u32 $0x7, v4  }
0x47: {  	v4 =	vor.u32 v4, v5  }
0x48: {  	v5 =	vperm.xlane v4, v0;
	_ =	sdelay $0x1  }
0x49: {  	v5 =	vadd.s32 v1, v5;
	_ =	sdelay $0x3  }
0x4a: {  	s22 =	simm.s32 $0x6400;
	v4 =	vperm.xlane v4, v2  }
0x4b: {  	[tilespmem:s22], [sflag:$0x1] =	stream.indirect_vreg.gather [hbm4b:s2+s3], $0x80, v5, vm0, $0xb8;
	[tilespmem:$0x18400] =	vst v63  }
0x4c: {  	v4 =	vadd.s32 v1, v4  }
0x4d: {  	[tilespmem:s23], [sflag:$0x1] =	stream.indirect_vreg.gather [hbm4b:s5+s3], $0x80, v5, vm0, $0xb8;
	[tilespmem:$0x18400] =	vst v63  }
0x4e: {  	_ = 	snop  }
0x4f: {  	[tilespmem:s24], [sflag:$0x1] =	stream.indirect_vreg.gather [hbm4b:s6+s3], $0x80, v5, vm0, $0xb8;
	[tilespmem:$0x18400] =	vst v63  }
0x50: {  	_ = 	snop  }
0x51: {  	[tilespmem:s25], [sflag:$0x1] =	stream.indirect_vreg.gather [hbm4b:s2+s3], $0x80, v4, vm0, $0xb8;
	[tilespmem:$0x18400] =	vst v63  }
0x52: {  	_ = 	snop  }
0x53: {  	[tilespmem:s26], [sflag:$0x1] =	stream.indirect_vreg.gather [hbm4b:s5+s3], $0x80, v4, vm0, $0xb8;
	[tilespmem:$0x18400] =	vst v63  }
0x54: {  	_ = 	snop  }
0x55: {  	[tilespmem:s28], [sflag:$0x1] =	stream.indirect_vreg.gather [hbm4b:s6+s3], $0x80, v4, vm0, $0xb8;
	[tilespmem:$0x18400] =	vst v63  }
0x56: {  	v4 =	vld [tilespmem:$0x30];
	_ =	sdelay $0x4  }
0x57: {  	v5 =	vshrl.u32 v4, $0x3  }
0x58: {  	v5 =	vmul.u32 $0x30, v5  }
0x59: {  	v4 =	vand.u32 $0x7, v4  }
0x5a: {  	v4 =	vor.u32 v4, v5  }
0x5b: {  	v5 =	vperm.xlane v4, v0;
	_ =	sdelay $0x1  }
0x5c: {  	v5 =	vadd.s32 v1, v5;
	_ =	sdelay $0x3  }
0x5d: {  	v4 =	vperm.xlane v4, v2  }
0x5e: {  	[tilespmem:s29], [sflag:$0x1] =	stream.indirect_vreg.gather [hbm4b:s2+s3], $0x80, v5, vm0, $0xb8;
	[tilespmem:$0x18400] =	vst v63  }
0x5f: {  	v4 =	vadd.s32 v1, v4  }
0x60: {  	[tilespmem:s30], [sflag:$0x1] =	stream.indirect_vreg.gather [hbm4b:s5+s3], $0x80, v5, vm0, $0xb8;
	[tilespmem:$0x18400] =	vst v63  }
0x61: {  	_ = 	snop  }
0x62: {  	[tilespmem:s31], [sflag:$0x1] =	stream.indirect_vreg.gather [hbm4b:s6+s3], $0x80, v5, vm0, $0xb8;
	[tilespmem:$0x18400] =	vst v63  }
0x63: {  	_ = 	snop  }
0x64: {  	[tilespmem:s1], [sflag:$0x1] =	stream.indirect_vreg.gather [hbm4b:s2+s3], $0x80, v4, vm0, $0xb8;
	[tilespmem:$0x18400] =	vst v63  }
.Ltmp2:
0x65: {  	_ = 	snop;
	(pc) =	sbr.rel .LBB2_2-.Ltmp2, $4  }
0x66: {  	_ = 	snop  }
0x67: {  	[tilespmem:s0], [sflag:$0x1] =	stream.indirect_vreg.gather [hbm4b:s5+s3], $0x80, v4, vm0, $0xb8;
	[tilespmem:$0x18400] =	vst v63  }
0x68: {  	s14 =	simm.s32 $0xB0;
	s20 =	rddreg [dreg:$0x6];
	s21 =	simm.s32 $0x0  }
0x69: {  	[tilespmem:s4], [sflag:$0x1] =	stream.indirect_vreg.gather [hbm4b:s6+s3], $0x80, v4, vm0, $0xb8;
	[tilespmem:$0x18400] =	vst v63  }
.LBB2_4:
0x6a: {  	_ =	sdelay $0x3  }
0x6b: {  	[tilespmem:s10], [sflag:$0x1] =	stream.indirect_vreg.gather [hbm4b:s2+s3], $0x80, v5, vm0, $0xb8;
	[tilespmem:$0x18400] =	vst v63  }
0x6c: {  	s22 =	simm.s32 $0xC00  }
0x6d: {  	[tilespmem:s22], [sflag:$0x1] =	stream.indirect_vreg.gather [hbm4b:s5+s3], $0x80, v5, vm0, $0xb8;
	[tilespmem:$0x18400] =	vst v63  }
0x6e: {  	s22 =	simm.s32 $0x1400  }
0x6f: {  	[tilespmem:s22], [sflag:$0x1] =	stream.indirect_vreg.gather [hbm4b:s6+s3], $0x80, v5, vm0, $0xb8;
	[tilespmem:$0x18400] =	vst v63  }
0x70: {  	s22 =	simm.s32 $0x1C00  }
0x71: {  	[tilespmem:s22], [sflag:$0x1] =	stream.indirect_vreg.gather [hbm4b:s2+s3], $0x80, v4, vm0, $0xb8;
	[tilespmem:$0x18400] =	vst v63  }
0x72: {  	s22 =	simm.s32 $0x2400  }
0x73: {  	[tilespmem:s22], [sflag:$0x1] =	stream.indirect_vreg.gather [hbm4b:s5+s3], $0x80, v4, vm0, $0xb8;
	[tilespmem:$0x18400] =	vst v63  }
0x74: {  	s22 =	simm.s32 $0x2C00  }
0x75: {  	[tilespmem:s22], [sflag:$0x1] =	stream.indirect_vreg.gather [hbm4b:s6+s3], $0x80, v4, vm0, $0xb8;
	[tilespmem:$0x18400] =	vst v63  }
0x76: {  	v4 =	vld [tilespmem:s14+$0xFFFFFFE0];
	_ =	sdelay $0x4  }
0x77: {  	v5 =	vshrl.u32 v4, $0x3  }
0x78: {  	v5 =	vmul.u32 $0x30, v5  }
0x79: {  	v4 =	vand.u32 $0x7, v4  }
0x7a: {  	v4 =	vor.u32 v4, v5  }
0x7b: {  	v5 =	vperm.xlane v4, v0;
	_ =	sdelay $0x1  }
0x7c: {  	v5 =	vadd.s32 v1, v5;
	_ =	sdelay $0x3  }
0x7d: {  	s22 =	simm.s32 $0x3400;
	v4 =	vperm.xlane v4, v3  }
0x7e: {  	[tilespmem:s22], [sflag:$0x1] =	stream.indirect_vreg.gather [hbm4b:s2+s3], $0x80, v5, vm0, $0xb8;
	[tilespmem:$0x18400] =	vst v63  }
0x7f: {  	v4 =	vadd.s32 v1, v4;
	s22 =	simm.s32 $0x3C00  }
0x80: {  	[tilespmem:s22], [sflag:$0x1] =	stream.indirect_vreg.gather [hbm4b:s5+s3], $0x80, v5, vm0, $0xb8;
	[tilespmem:$0x18400] =	vst v63  }
0x81: {  	s22 =	simm.s32 $0x4400  }
0x82: {  	[tilespmem:s22], [sflag:$0x1] =	stream.indirect_vreg.gather [hbm4b:s6+s3], $0x80, v5, vm0, $0xb8;
	[tilespmem:$0x18400] =	vst v63  }
0x83: {  	s22 =	simm.s32 $0x4C00  }
0x84: {  	[tilespmem:s22], [sflag:$0x1] =	stream.indirect_vreg.gather [hbm4b:s2+s3], $0x80, v4, vm0, $0xb8;
	[tilespmem:$0x18400] =	vst v63  }
0x85: {  	s22 =	simm.s32 $0x5400  }
0x86: {  	[tilespmem:s22], [sflag:$0x1] =	stream.indirect_vreg.gather [hbm4b:s5+s3], $0x80, v4, vm0, $0xb8;
	[tilespmem:$0x18400] =	vst v63  }
0x87: {  	s22 =	simm.s32 $0x5C00  }
0x88: {  	[tilespmem:s22], [sflag:$0x1] =	stream.indirect_vreg.gather [hbm4b:s6+s3], $0x80, v4, vm0, $0xb8;
	[tilespmem:$0x18400] =	vst v63  }
0x89: {  	v4 =	vld [tilespmem:s14+$0xFFFFFFF0];
	_ =	sdelay $0x4  }
0x8a: {  	v5 =	vshrl.u32 v4, $0x3  }
0x8b: {  	v5 =	vmul.u32 $0x30, v5  }
0x8c: {  	v4 =	vand.u32 $0x7, v4  }
0x8d: {  	v4 =	vor.u32 v4, v5  }
0x8e: {  	v5 =	vperm.xlane v4, v0;
	_ =	sdelay $0x1  }
0x8f: {  	v5 =	vadd.s32 v1, v5;
	_ =	sdelay $0x3  }
0x90: {  	s22 =	simm.s32 $0x6400;
	v4 =	vperm.xlane v4, v3  }
0x91: {  	[tilespmem:s22], [sflag:$0x1] =	stream.indirect_vreg.gather [hbm4b:s2+s3], $0x80, v5, vm0, $0xb8;
	[tilespmem:$0x18400] =	vst v63  }
0x92: {  	v4 =	vadd.s32 v1, v4  }
0x93: {  	[tilespmem:s23], [sflag:$0x1] =	stream.indirect_vreg.gather [hbm4b:s5+s3], $0x80, v5, vm0, $0xb8;
	[tilespmem:$0x18400] =	vst v63  }
0x94: {  	_ = 	snop  }
0x95: {  	[tilespmem:s24], [sflag:$0x1] =	stream.indirect_vreg.gather [hbm4b:s6+s3], $0x80, v5, vm0, $0xb8;
	[tilespmem:$0x18400] =	vst v63  }
0x96: {  	_ = 	snop  }
0x97: {  	[tilespmem:s25], [sflag:$0x1] =	stream.indirect_vreg.gather [hbm4b:s2+s3], $0x80, v4, vm0, $0xb8;
	[tilespmem:$0x18400] =	vst v63  }
0x98: {  	_ = 	snop  }
0x99: {  	[tilespmem:s26], [sflag:$0x1] =	stream.indirect_vreg.gather [hbm4b:s5+s3], $0x80, v4, vm0, $0xb8;
	[tilespmem:$0x18400] =	vst v63  }
0x9a: {  	_ = 	snop  }
0x9b: {  	[tilespmem:s28], [sflag:$0x1] =	stream.indirect_vreg.gather [hbm4b:s6+s3], $0x80, v4, vm0, $0xb8;
	[tilespmem:$0x18400] =	vst v63  }
0x9c: {  	v4 =	vld [tilespmem:s14+$0x0];
	_ =	sdelay $0x4  }
0x9d: {  	v5 =	vshrl.u32 v4, $0x3  }
0x9e: {  	v5 =	vmul.u32 $0x30, v5  }
0x9f: {  	v4 =	vand.u32 $0x7, v4  }
0xa0: {  	v4 =	vor.u32 v4, v5  }
0xa1: {  	v5 =	vperm.xlane v4, v0;
	_ =	sdelay $0x1  }
0xa2: {  	v5 =	vadd.s32 v1, v5;
	_ =	sdelay $0x3  }
0xa3: {  	v4 =	vperm.xlane v4, v3  }
0xa4: {  	[tilespmem:s29], [sflag:$0x1] =	stream.indirect_vreg.gather [hbm4b:s2+s3], $0x80, v5, vm0, $0xb8;
	[tilespmem:$0x18400] =	vst v63  }
0xa5: {  	v4 =	vadd.s32 v1, v4  }
0xa6: {  	[tilespmem:s30], [sflag:$0x1] =	stream.indirect_vreg.gather [hbm4b:s5+s3], $0x80, v5, vm0, $0xb8;
	[tilespmem:$0x18400] =	vst v63  }
0xa7: {  	_ = 	snop  }
0xa8: {  	[tilespmem:s31], [sflag:$0x1] =	stream.indirect_vreg.gather [hbm4b:s6+s3], $0x80, v5, vm0, $0xb8;
	[tilespmem:$0x18400] =	vst v63  }
0xa9: {  	_ = 	snop  }
0xaa: {  	[tilespmem:s1], [sflag:$0x1] =	stream.indirect_vreg.gather [hbm4b:s2+s3], $0x80, v4, vm0, $0xb8;
	[tilespmem:$0x18400] =	vst v63  }
0xab: {  	_ = 	snop  }
0xac: {  	[tilespmem:s0], [sflag:$0x1] =	stream.indirect_vreg.gather [hbm4b:s5+s3], $0x80, v4, vm0, $0xb8;
	[tilespmem:$0x18400] =	vst v63  }
0xad: {  	_ = 	snop  }
0xae: {  	[tilespmem:s4], [sflag:$0x1] =	stream.indirect_vreg.gather [hbm4b:s6+s3], $0x80, v4, vm0, $0xb8;
	[tilespmem:$0x18400] =	vst v63  }
.LBB2_5:
0xaf: {  	_ =	swait.ge [sflag:s7], $0xC000  }
0xb0: {  	[sflag:s7] =	ssyncset.done $0x0  }
0xb1: {  	s22 =	simm.s32 $0x4;
	[sflag:s7] =	ssyncadd.s32 $0xFFFF4000  }
0xb2: {  	[hbm4b:s20+s3] =	stream.linear.scatter [tilespmem:s8], [sflag:$0x4], $0xC000, $0x38;
	[tilespmem:$0x18400] =	vst v63  }
.LBB2_6:
0xb3: {  	s21 =	sadd.s32 $0x1, s21  }
0xb4: {  	p0 =	sne.s32 s21, $0x8  }
.Ltmp3:
0xb5: {  	_ = 	snop;
	(pc) =	sbr.rel @!p0 .LBB2_7-.Ltmp3, $4  }
0xb6: {  	_ = 	snop  }
0xb7: {  	_ =	swait.ge [sflag:s22], $0xC000  }
0xb8: {  	[sflag:s22] =	ssyncset.done $0x0  }
0xb9: {  	s20 =	sadd.s32 $0x1800, s20;
	s14 =	sadd.s32 $0x80, s14;
	[sflag:s22] =	ssyncadd.s32 $0xFFFF4000  }
.LBB2_2:
0xba: {  	p0 =	seq.s32 s21, $0x7  }
.Ltmp4:
0xbb: {  	_ = 	snop;
	(pc) =	sbr.rel @p0 .LBB2_5-.Ltmp4, $1  }
0xbc: {  	_ =	sdelay $0x3  }
0xbd: {  	v4 =	vld [tilespmem:s14+$0xFFFFFFD0];
	_ =	sdelay $0x4  }
0xbe: {  	s22 =	sand.u32 $0x1, s21;
	v5 =	vshrl.u32 v4, $0x3  }
0xbf: {  	p0 =	seq.s32 s22, $0x0;
	v5 =	vmul.u32 $0x30, v5  }
.Ltmp5:
0xc0: {  	v4 =	vand.u32 $0x7, v4;
	(pc) =	sbr.rel @!p0 .LBB2_4-.Ltmp5, $3  }
0xc1: {  	v4 =	vor.u32 v4, v5  }
0xc2: {  	v5 =	vperm.xlane v4, v0;
	v4 =	vperm.xlane v4, v3;
	_ =	sdelay $0x1  }
0xc3: {  	v5 =	vadd.s32 v1, v5;
	v4 =	vadd.s32 v1, v4  }
0xc4: {  	_ =	sdelay $0x3  }
0xc5: {  	[tilespmem:s8], [sflag:$0x2] =	stream.indirect_vreg.gather [hbm4b:s2+s3], $0x80, v5, vm0, $0xb8;
	[tilespmem:$0x18400] =	vst v63  }
0xc6: {  	s22 =	simm.s32 $0xCC00  }
0xc7: {  	[tilespmem:s22], [sflag:$0x2] =	stream.indirect_vreg.gather [hbm4b:s5+s3], $0x80, v5, vm0, $0xb8;
	[tilespmem:$0x18400] =	vst v63  }
0xc8: {  	s22 =	simm.s32 $0xD400  }
0xc9: {  	[tilespmem:s22], [sflag:$0x2] =	stream.indirect_vreg.gather [hbm4b:s6+s3], $0x80, v5, vm0, $0xb8;
	[tilespmem:$0x18400] =	vst v63  }
0xca: {  	s22 =	simm.s32 $0xDC00  }
0xcb: {  	[tilespmem:s22], [sflag:$0x2] =	stream.indirect_vreg.gather [hbm4b:s2+s3], $0x80, v4, vm0, $0xb8;
	[tilespmem:$0x18400] =	vst v63  }
0xcc: {  	s22 =	simm.s32 $0xE400  }
0xcd: {  	[tilespmem:s22], [sflag:$0x2] =	stream.indirect_vreg.gather [hbm4b:s5+s3], $0x80, v4, vm0, $0xb8;
	[tilespmem:$0x18400] =	vst v63  }
0xce: {  	s22 =	simm.s32 $0xEC00  }
0xcf: {  	[tilespmem:s22], [sflag:$0x2] =	stream.indirect_vreg.gather [hbm4b:s6+s3], $0x80, v4, vm0, $0xb8;
	[tilespmem:$0x18400] =	vst v63  }
0xd0: {  	v4 =	vld [tilespmem:s14+$0xFFFFFFE0];
	_ =	sdelay $0x4  }
0xd1: {  	v5 =	vshrl.u32 v4, $0x3  }
0xd2: {  	v5 =	vmul.u32 $0x30, v5  }
0xd3: {  	v4 =	vand.u32 $0x7, v4  }
0xd4: {  	v4 =	vor.u32 v4, v5  }
0xd5: {  	v5 =	vperm.xlane v4, v0;
	_ =	sdelay $0x1  }
0xd6: {  	v5 =	vadd.s32 v1, v5;
	_ =	sdelay $0x3  }
0xd7: {  	s22 =	simm.s32 $0xF400;
	v4 =	vperm.xlane v4, v3  }
0xd8: {  	[tilespmem:s22], [sflag:$0x2] =	stream.indirect_vreg.gather [hbm4b:s2+s3], $0x80, v5, vm0, $0xb8;
	[tilespmem:$0x18400] =	vst v63  }
0xd9: {  	v4 =	vadd.s32 v1, v4;
	s22 =	simm.s32 $0xFC00  }
0xda: {  	[tilespmem:s22], [sflag:$0x2] =	stream.indirect_vreg.gather [hbm4b:s5+s3], $0x80, v5, vm0, $0xb8;
	[tilespmem:$0x18400] =	vst v63  }
0xdb: {  	s22 =	simm.s32 $0x10400  }
0xdc: {  	[tilespmem:s22], [sflag:$0x2] =	stream.indirect_vreg.gather [hbm4b:s6+s3], $0x80, v5, vm0, $0xb8;
	[tilespmem:$0x18400] =	vst v63  }
0xdd: {  	s22 =	simm.s32 $0x10C00  }
0xde: {  	[tilespmem:s22], [sflag:$0x2] =	stream.indirect_vreg.gather [hbm4b:s2+s3], $0x80, v4, vm0, $0xb8;
	[tilespmem:$0x18400] =	vst v63  }
0xdf: {  	s22 =	simm.s32 $0x11400  }
0xe0: {  	[tilespmem:s22], [sflag:$0x2] =	stream.indirect_vreg.gather [hbm4b:s5+s3], $0x80, v4, vm0, $0xb8;
	[tilespmem:$0x18400] =	vst v63  }
0xe1: {  	s22 =	simm.s32 $0x11C00  }
0xe2: {  	[tilespmem:s22], [sflag:$0x2] =	stream.indirect_vreg.gather [hbm4b:s6+s3], $0x80, v4, vm0, $0xb8;
	[tilespmem:$0x18400] =	vst v63  }
0xe3: {  	v4 =	vld [tilespmem:s14+$0xFFFFFFF0];
	_ =	sdelay $0x4  }
0xe4: {  	v5 =	vshrl.u32 v4, $0x3  }
0xe5: {  	v5 =	vmul.u32 $0x30, v5  }
0xe6: {  	v4 =	vand.u32 $0x7, v4  }
0xe7: {  	v4 =	vor.u32 v4, v5  }
0xe8: {  	v5 =	vperm.xlane v4, v0;
	_ =	sdelay $0x1  }
0xe9: {  	v5 =	vadd.s32 v1, v5;
	_ =	sdelay $0x3  }
0xea: {  	s22 =	simm.s32 $0x12400;
	v4 =	vperm.xlane v4, v3  }
0xeb: {  	[tilespmem:s22], [sflag:$0x2] =	stream.indirect_vreg.gather [hbm4b:s2+s3], $0x80, v5, vm0, $0xb8;
	[tilespmem:$0x18400] =	vst v63  }
0xec: {  	v4 =	vadd.s32 v1, v4;
	s22 =	simm.s32 $0x12C00  }
0xed: {  	[tilespmem:s22], [sflag:$0x2] =	stream.indirect_vreg.gather [hbm4b:s5+s3], $0x80, v5, vm0, $0xb8;
	[tilespmem:$0x18400] =	vst v63  }
0xee: {  	s22 =	simm.s32 $0x13400  }
0xef: {  	[tilespmem:s22], [sflag:$0x2] =	stream.indirect_vreg.gather [hbm4b:s6+s3], $0x80, v5, vm0, $0xb8;
	[tilespmem:$0x18400] =	vst v63  }
0xf0: {  	s22 =	simm.s32 $0x13C00  }
0xf1: {  	[tilespmem:s22], [sflag:$0x2] =	stream.indirect_vreg.gather [hbm4b:s2+s3], $0x80, v4, vm0, $0xb8;
	[tilespmem:$0x18400] =	vst v63  }
0xf2: {  	s22 =	simm.s32 $0x14400  }
0xf3: {  	[tilespmem:s22], [sflag:$0x2] =	stream.indirect_vreg.gather [hbm4b:s5+s3], $0x80, v4, vm0, $0xb8;
	[tilespmem:$0x18400] =	vst v63  }
0xf4: {  	_ = 	snop  }
0xf5: {  	[tilespmem:s9], [sflag:$0x2] =	stream.indirect_vreg.gather [hbm4b:s6+s3], $0x80, v4, vm0, $0xb8;
	[tilespmem:$0x18400] =	vst v63  }
0xf6: {  	v4 =	vld [tilespmem:s14+$0x0];
	_ =	sdelay $0x4  }
0xf7: {  	v5 =	vshrl.u32 v4, $0x3  }
0xf8: {  	v5 =	vmul.u32 $0x30, v5  }
0xf9: {  	v4 =	vand.u32 $0x7, v4  }
0xfa: {  	v4 =	vor.u32 v4, v5  }
0xfb: {  	v5 =	vperm.xlane v4, v0;
	_ =	sdelay $0x1  }
0xfc: {  	v5 =	vadd.s32 v1, v5;
	_ =	sdelay $0x3  }
0xfd: {  	v4 =	vperm.xlane v4, v3  }
0xfe: {  	[tilespmem:s15], [sflag:$0x2] =	stream.indirect_vreg.gather [hbm4b:s2+s3], $0x80, v5, vm0, $0xb8;
	[tilespmem:$0x18400] =	vst v63  }
0xff: {  	v4 =	vadd.s32 v1, v4  }
0x100: {  	[tilespmem:s12], [sflag:$0x2] =	stream.indirect_vreg.gather [hbm4b:s5+s3], $0x80, v5, vm0, $0xb8;
	[tilespmem:$0x18400] =	vst v63  }
0x101: {  	_ = 	snop  }
0x102: {  	[tilespmem:s16], [sflag:$0x2] =	stream.indirect_vreg.gather [hbm4b:s6+s3], $0x80, v5, vm0, $0xb8;
	[tilespmem:$0x18400] =	vst v63  }
0x103: {  	_ = 	snop  }
0x104: {  	[tilespmem:s17], [sflag:$0x2] =	stream.indirect_vreg.gather [hbm4b:s2+s3], $0x80, v4, vm0, $0xb8;
	[tilespmem:$0x18400] =	vst v63  }
0x105: {  	_ = 	snop  }
0x106: {  	[tilespmem:s13], [sflag:$0x2] =	stream.indirect_vreg.gather [hbm4b:s5+s3], $0x80, v4, vm0, $0xb8;
	[tilespmem:$0x18400] =	vst v63  }
0x107: {  	_ = 	snop  }
0x108: {  	[tilespmem:s18], [sflag:$0x2] =	stream.indirect_vreg.gather [hbm4b:s6+s3], $0x80, v4, vm0, $0xb8;
	[tilespmem:$0x18400] =	vst v63  }
.Ltmp6:
0x109: {  	_ = 	snop;
	(pc) =	sbr.rel .LBB2_6-.Ltmp6, $4  }
0x10a: {  	_ =	swait.ge [sflag:s11], $0xC000  }
0x10b: {  	[sflag:s11] =	ssyncset.done $0x0  }
0x10c: {  	s22 =	simm.s32 $0x3;
	[sflag:s11] =	ssyncadd.s32 $0xFFFF4000  }
0x10d: {  	[hbm4b:s20+s3] =	stream.linear.scatter [tilespmem:s10], [sflag:$0x3], $0xC000, $0x38;
	[tilespmem:$0x18400] =	vst v63  }
.LBB2_8:
0x10e: {  	_ =	sfence.sel $0x180000  }
0x10f: {  	[bflag:$0x0] =	sbarrier.arrive $0xFFFF  }
0x110: {  	_ =	strace $0x90000047  }
0x111: {  	s0 =	stileid.u32;
	[bflag:$0x2] =	sbarrier.arrive $0xFFFF  }
0x112: {  	p0 =	sne.s32 s0, $0x0;
	s0 =	rddreg [dreg:$0x3]  }
0x113: {  	s0 =	sadd.s32 @!p0 $0x100000, s0  }
0x114: {  	[sflag:s0] =	ssyncadd.tile.s32 @!p0 $0x1;
	_ =	shalt  }
.Lfunc_end2:
_tile_overlayer_lowered:
.L_overlay_start_2:
0x115: {  	(tag) =	ssettag $0x2  }
0x116: {  	s0 =	rddreg [dreg:$0x0];
	s2 =	stileid.u32  }
0x117: {  	s1 =	rddreg [dreg:$0x1];
	p0 =	sne.s32 s2, $0x0  }
0x118: {  	s3 =	rddreg [dreg:$0x2];
	[bflag:$0x3] =	sbarrier.arrive $0xFFFF;
	s2 =	simm.s32 @!p0 $0x1C03  }
0x119: {  	[timem:s3], [sflag:s2] =	dma.local @!p0 [hbm:s0], s1  }
0x11a: {  	s0 =	simm.s32 @!p0 $0x3  }
0x11b: {  	_ =	swait.ge @!p0 [sflag:s0], s1  }
0x11c: {  	s1 =	ssub.s32 @!p0 $0x0, s1;
	[sflag:s0] =	ssyncset.done @!p0 $0x0  }
0x11d: {  	[sflag:s0] =	ssyncadd.s32 @!p0 s1  }
0x11e: {  	[bflag:$0x3] =	sbarrier.arrive $0xFFFF  }
0x11f: {  	_ =	shalt  }

// kernel: kernel.9.cloned.1.call-start
scs
__scs_entry_jumppad:
0x0: {  	(pc) =	sbr.rel $0x88, $3  }
0x1: {  	(tag) =	ssettag $0x0;
	lr =	simm.s32 $0x1  }
0x2: {  	[smem:$0x3F97] =	sst lr;
	_ =	strace $0xD0000000  }
0x3: {  	_ = 	snop  }
0x4: {  	_ = 	snop  }
0x5: {  	_ = 	snop  }
0x6: {  	_ = 	snop  }
0x7: {  	_ = 	snop  }
__scs_overlays_trampoline_lowered:
0x8: {  	[smem:$0x3FA6] =	sst s0  }
0x9: {  	[smem:$0x3FA7] =	sst s1  }
0xa: {  	[smem:$0x3FA8] =	sst s2  }
0xb: {  	[smem:$0x3FA9] =	sst s3  }
0xc: {  	[smem:$0x3FAA] =	sst s4  }
0xd: {  	[smem:$0x3FAB] =	sst s5  }
0xe: {  	[smem:$0x3FAC] =	sst s6  }
0xf: {  	[smem:$0x3FAD] =	sst s7  }
0x10: {  	[smem:$0x3FAE] =	sst s8  }
0x11: {  	[smem:$0x3FAF] =	sst s9;
	s0 =	simm.s32 @!p0 $0x0  }
0x12: {  	s1 =	sld [smem:$0x3F95];
	s0 =	simm.s32 @p0 $0x1  }
0x13: {  	[smem:$0x3FB0] =	sst s0;
	s0 =	simm.s32 @!p1 $0x0  }
0x14: {  	s2 =	sld [smem:$0x3F94];
	s0 =	simm.s32 @p1 $0x1  }
0x15: {  	[smem:$0x3FB1] =	sst s0;
	s0 =	simm.s32 @!p2 $0x0  }
0x16: {  	s3 =	sld [smem:$0x3FDB];
	s0 =	simm.s32 @p2 $0x1  }
0x17: {  	s4 =	simm.s32 $0x1BF5;
	[smem:$0x3FB3] =	sst s0  }
0x18: {  	s0 =	sld [smem:$0x3F96];
	_ =	swait.ge [sflag:s4], $0x0  }
0x19: {  	s7 =	sld [smem:$0x3F97]  }
0x1a: {  	s8 =	sadd.s32 $0xFFFFE003, lr  }
0x1b: {  	s9 =	sadd.s32 $0xFFFFFEF7, lr;
	s5 =	simm.s32 $0xFFFFFFFF;
	p2 =	slt.u32 s8, $0xFFFFF086  }
0x1c: {  	p1 =	slt.u32 s9, $0xF7A;
	s5 =	simm.s32 @!p2 $0x0  }
0x1d: {  	s5 =	simm.s32 @p1 $0x1;
	p0 =	seq.s32 s7, s2  }
0x1e: {  	s7 =	smul.u32 @!p0 $0xF7A, s2;
	p2 =	seq.s32 @!p0 s5, $0x0  }
0x1f: {  	s9 =	smul.u32 $0xF7A, s1;
	s8 =	simm.s32 @!p0 $0x1BF5;
	p2 =	por !p2, p0  }
0x20: {  	[sflag:s8] =	ssyncset.s32 @!p0 $0xFFFFF086;
	s6 =	sadd.s32 @!p0 s3, s7;
	s7 =	simm.s32 @!p0 $0x108  }
0x21: {  	s3 =	sadd.s32 s3, s9;
	s6 =	sadd.s32 @!p0 $0x88, s6;
	s7 =	simm.s32 @p2 $0x1082  }
0x22: {  	[simem:s7], [sflag:s8] =	dma.local @!p0 [hbm:s6], $0xF7A  }
0x23: {  	s9 =	sor.u32 $0xD0000000, s2;
	s6 =	simm.s32 $0x108;
	_ =	swait.ge @!p0 [sflag:s8], $0x0  }
0x24: {  	s3 =	sadd.s32 $0x88, s3;
	s6 =	simm.s32 @!p1 $0x1082;
	[sflag:s4] =	ssyncset.s32 $0xFFFFF086  }
0x25: {  	[simem:s6], [sflag:s4] =	dma.local [hbm:s3], $0xF7A  }
0x26: {  	[smem:$0x3F97] =	sst s1;
	(tag) =	ssettag s2;
	_ =	strace s9  }
0x27: {  	s1 =	sld [smem:$0x3FA7]  }
0x28: {  	s2 =	sld [smem:$0x3FA8]  }
0x29: {  	s4 =	sld [smem:$0x3FAA]  }
0x2a: {  	p0 =	seq.s32 s5, $0x0;
	s5 =	sld [smem:$0x3FAB]  }
0x2b: {  	s6 =	sld [smem:$0x3FAC]  }
0x2c: {  	s7 =	sld [smem:$0x3FAD]  }
0x2d: {  	s3 =	simm.s32 $0x108;
	s8 =	sld [smem:$0x3FAE]  }
0x2e: {  	s3 =	simm.s32 @!p0 $0x1082;
	s9 =	sld [smem:$0x3FAF]  }
0x2f: {  	lr =	sadd.s32 s0, s3;
	s0 =	sld [smem:$0x3FA6]  }
0x30: {  	s3 =	sld [smem:$0x3FA9]  }
0x31: {  	[smem:$0x3FB2] =	sst s10  }
0x32: {  	s10 =	sld [smem:$0x3FB0];
	_ =	sdelay $0x3  }
0x33: {  	p0 =	seq.s32 s10, $0x1;
	s10 =	sld [smem:$0x3FB2];
	_ =	sdelay $0x3  }
0x34: {  	[smem:$0x3FB2] =	sst s10  }
0x35: {  	s10 =	sld [smem:$0x3FB1];
	_ =	sdelay $0x3  }
0x36: {  	p1 =	seq.s32 s10, $0x1;
	s10 =	sld [smem:$0x3FB2];
	_ =	sdelay $0x3  }
0x37: {  	[smem:$0x3FB2] =	sst s10  }
0x38: {  	s10 =	sld [smem:$0x3FB3]  }
0x39: {  	_ = 	snop;
	(pc) =	sbr.ind lr, $3  }
0x3a: {  	_ = 	snop  }
0x3b: {  	_ = 	snop  }
0x3c: {  	p2 =	seq.s32 s10, $0x1;
	s10 =	sld [smem:$0x3FB2]  }
0x3d: {  	_ =	shalt  }
0x3e: {  	_ =	shalt  }
0x3f: {  	_ =	shalt  }
0x40: {  	_ =	shalt  }
0x41: {  	_ =	shalt  }
0x42: {  	_ =	shalt  }
0x43: {  	_ =	shalt  }
0x44: {  	_ =	shalt  }
0x45: {  	_ =	shalt  }
0x46: {  	_ =	shalt  }
0x47: {  	_ =	shalt  }
0x48: {  	_ =	shalt  }
0x49: {  	_ =	shalt  }
0x4a: {  	_ =	shalt  }
0x4b: {  	_ =	shalt  }
0x4c: {  	_ =	shalt  }
0x4d: {  	_ =	shalt  }
0x4e: {  	_ =	shalt  }
0x4f: {  	_ =	shalt  }
0x50: {  	_ =	shalt  }
0x51: {  	_ =	shalt  }
0x52: {  	_ =	shalt  }
0x53: {  	_ =	shalt  }
0x54: {  	_ =	shalt  }
0x55: {  	_ =	shalt  }
0x56: {  	_ =	shalt  }
0x57: {  	_ =	shalt  }
0x58: {  	_ =	shalt  }
0x59: {  	_ =	shalt  }
0x5a: {  	_ =	shalt  }
0x5b: {  	_ =	shalt  }
0x5c: {  	_ =	shalt  }
0x5d: {  	_ =	shalt  }
0x5e: {  	_ =	shalt  }
0x5f: {  	_ =	shalt  }
0x60: {  	_ =	shalt  }
0x61: {  	_ =	shalt  }
0x62: {  	_ =	shalt  }
0x63: {  	_ =	shalt  }
0x64: {  	_ =	shalt  }
0x65: {  	_ =	shalt  }
0x66: {  	_ =	shalt  }
0x67: {  	_ =	shalt  }
0x68: {  	_ =	shalt  }
0x69: {  	_ =	shalt  }
0x6a: {  	_ =	shalt  }
0x6b: {  	_ =	shalt  }
0x6c: {  	_ =	shalt  }
0x6d: {  	_ =	shalt  }
0x6e: {  	_ =	shalt  }
0x6f: {  	_ =	shalt  }
0x70: {  	_ =	shalt  }
0x71: {  	_ =	shalt  }
0x72: {  	_ =	shalt  }
0x73: {  	_ =	shalt  }
0x74: {  	_ =	shalt  }
0x75: {  	_ =	shalt  }
0x76: {  	_ =	shalt  }
0x77: {  	_ =	shalt  }
0x78: {  	_ =	shalt  }
0x79: {  	_ =	shalt  }
0x7a: {  	_ =	shalt  }
0x7b: {  	_ =	shalt  }
0x7c: {  	_ =	shalt  }
0x7d: {  	_ =	shalt  }
0x7e: {  	_ =	shalt  }
0x7f: {  	_ =	shalt  }
0x80: {  	_ =	shalt  }
0x81: {  	_ =	shalt  }
0x82: {  	_ =	shalt  }
0x83: {  	_ =	shalt  }
0x84: {  	_ =	shalt  }
0x85: {  	_ =	shalt  }
0x86: {  	_ =	shalt  }
0x87: {  	_ =	shalt  }
.Lfunc_end0:
.L_simem_size_0:
called_computation.1_lowered:
.L_overlay_start_0:
0x88: {  	s2 =	sld [smem:$0x3FD9]  }
0x89: {  	s3 =	sld [smem:$0x3FFE];
	_ =	sdelay $0x1  }
0x8a: {  	s1 =	srdreg.scid  }
0x8b: {  	s0 =	sand.u32 $0x1, s1  }
0x8c: {  	s17 =	sshll.u32 s0, $0xA;
	s2 =	sadd.s32 s3, s2  }
0x8d: {  	s2 =	sadd.s32 s2, s17  }
0x8e: {  	[smem:$0x3FBE] =	sst s2  }
0x8f: {  	_ = 	snop  }
0x90: {  	s2 =	sld [smem:$0x3FC5];
	(tm) =	ssettm $0x1  }
0x91: {  	s18 =	sld [smem:$0x3FFB];
	_ =	sdelay $0x3  }
0x92: {  	_ =	strace s18  }
0x93: {  	s3 =	sld [smem:$0x3FFC];
	_ =	sdelay $0x3  }
0x94: {  	_ =	strace s3  }
0x95: {  	s3 =	sld [smem:$0x3FFD];
	_ =	sdelay $0x3  }
0x96: {  	_ =	strace s3  }
0x97: {  	_ =	strace $0x8FFFFFFF  }
0x98: {  	s19 =	sld [smem:$0x3FDB];
	_ =	sdelay $0x1  }
0x99: {  	s4 =	simm.s32 $_scs_section_size  }
0x9a: {  	s5 =	simm.s32 $_size__tile_overlayer_lowered;
	s6 =	simm.s32 $_tile_overlayer_lowered  }
0x9b: {  	s22 =	simm.s32 $0x1BFF;
	s21 =	sshll.u32 s6, $0x1;
	s3 =	sadd.s32 s4, s19  }
0x9c: {  	s7 =	simm.s32 $0x0;
	s20 =	sshll.u32 s5, $0x1;
	s5 =	sadd.s32 s21, s3  }
0x9d: {  	[timem:s7], [sflag:s22] =	dma.local [hbm:s5], s20  }
0x9e: {  	_ =	swait.ge [sflag:s22], s20  }
0x9f: {  	s4 =	ssub.s32 $0x0, s20;
	[sflag:s22] =	ssyncset.done $0x0  }
0xa0: {  	[sflag:s22] =	ssyncadd.s32 s4;
	_ =	sdelay $0x1  }
0xa1: {  	s23 =	simm.s32 $0x1B8B  }
0xa2: {  	_ =	swait.ge [sflag:s23], $0x1  }
0xa3: {  	[sflag:s23] =	ssyncset.done $0x0  }
0xa4: {  	s25 =	simm.s32 $0x1B8E;
	s24 =	sld [smem:$0x3FFE];
	[sflag:s23] =	ssyncadd.s32 $0xFFFFFFFF  }
0xa5: {  	s26 =	simm.s32 $execute0_lowered;
	[smem:$0x3FD2] =	sst s25  }
0xa6: {  	s5 =	sshll.u32 s26, $0x1;
	_ =	strace $0x80000049;
	[dreg:$0x1] =	wrdreg $0xFFFFFFFF  }
0xa7: {  	s28 =	simm.s32 $_size_execute0_lowered;
	s3 =	sadd.s32 s3, s5;
	[dreg:$0x0] =	wrdreg $0x0  }
0xa8: {  	s5 =	sshll.u32 s28, $0x1;
	[dreg:$0x2] =	wrdreg s3  }
0xa9: {  	[dreg:$0x3] =	wrdreg s5  }
0xaa: {  	[dreg:$0x4] =	wrdreg $0xC0  }
0xab: {  	_ =	task [dreg:s7], $0x5FFFF  }
0xac: {  	[dreg:$0x1] =	wrdreg $0xFFFFFFFF  }
0xad: {  	[dreg:$0x0] =	wrdreg $0x60  }
0xae: {  	[dreg:$0x2] =	wrdreg s24  }
0xaf: {  	[dreg:$0x3] =	wrdreg s2  }
0xb0: {  	[dreg:$0x4] =	wrdreg $0x9  }
0xb1: {  	_ =	task.clear_ibuf [dreg:s7], $0x5FFFF;
	_ =	strace $0x90000049  }
0xb2: {  	s29 =	simm.s32 $0x9;
	_ =	strace $0x8000004B  }
0xb3: {  	_ =	swait.ge [sflag:s29], $0x1  }
0xb4: {  	[sflag:s29] =	ssyncadd.s32 $0xFFFFFFFF  }
0xb5: {  	_ =	strace $0x9000004B  }
0xb6: {  	_ =	sfence  }
0xb7: {  	s30 =	sld [smem:$0x0];
	_ =	sdelay $0x2  }
0xb8: {  	s31 =	sshll.u32 s1, $0xD;
	s1 =	sshrl.u32 s1, $0x2  }
0xb9: {  	s3 =	sand.u32 $0x4000, s31;
	s1 =	sadd.s32 s1, s30  }
0xba: {  	s0 =	sor.u32 s3, s0;
	s1 =	sshll.u32 s1, $0x11  }
0xbb: {  	s0 =	sor.u32 s1, s0  }
0xbc: {  	s0 =	sadd.s32 $0x8F2B, s0  }
0xbd: {  	[sflag:s0] =	ssyncadd.remote.s32 $0x1  }
0xbe: {  	_ =	sfence.sel $0xFFFF  }
0xbf: {  	[dreg:$0x0] =	wrdreg $0xFFFFFFFF;
	(pc) =	sbr.abs _section_cstart, $3  }
0xc0: {  	[dreg:$0x1] =	wrdreg $0xFFFFFFFF  }
0xc1: {  	_ =	task.clear_ibuf [dreg:s7], $0x2FFFF;
	_ =	strace $0x9FFFFFFF  }
0xc2: {  	(tm) =	ssettm $0x7FFFFFFF  }
0xc3: {  	_ =	shalt  }
tec
execute0_lowered:
.L_overlay_start_1:
0x0: {  	(tag) =	ssettag $0x1  }
0x1: {  	s0 =	srdreg.scid;
	s1 =	rddreg [dreg:$0x0]  }
0x2: {  	s6 =	stileid.u32;
	s2 =	rddreg [dreg:$0x1];
	s3 =	simm.s32 $0x0  }
0x3: {  	s10 =	simm.s32 $0x400;
	s28 =	simm.s32 $0x8C00;
	s29 =	simm.s32 $0x9400  }
0x4: {  	s30 =	simm.s32 $0x9C00;
	s31 =	simm.s32 $0xA400;
	s7 =	simm.s32 $0x2  }
0x5: {  	s8 =	simm.s32 $0xC400;
	s9 =	simm.s32 $0x14C00;
	s15 =	simm.s32 $0x15400  }
0x6: {  	s12 =	simm.s32 $0x15C00;
	s16 =	simm.s32 $0x16400;
	s17 =	simm.s32 $0x16C00  }
0x7: {  	s13 =	simm.s32 $0x17400;
	s18 =	simm.s32 $0x17C00;
	s11 =	simm.s32 $0x1  }
0x8: {  	s19 =	simm.s32 $0x0;
	s0 =	sand.u32 $0x1, s0;
	s4 =	sshll.u32 s6, $0xA  }
0x9: {  	[smem:$0x7FF] =	sst s3;
	s22 =	sshll.u32 s6, $0x8;
	s6 =	sadd.s32 $0x200, s2  }
0xa: {  	s5 =	sshll.u32 s0, $0x9;
	s23 =	sshll.u32 s0, $0x7;
	s0 =	ssub.s32 $0x2, s0  }
0xb: {  	_ =	strace $0x8000004A;
	s4 =	sor.u32 s5, s4;
	s5 =	sor.u32 s23, s22  }
0xc: {  	s24 =	sshrl.u32 s0, $0x1;
	s23 =	simm.s32 $0x6C00;
	s4 =	sshrl.u32 s4, $0x3  }
0xd: {  	s5 =	sadd.s32 s5, s1;
	s0 =	ssub.s32 s0, s24;
	s4 =	smul.u32 $0x300, s4  }
.Ltmp0:
0xe: {  	s24 =	simm.s32 $0x7400;
	s25 =	sadd.s32 $0x182800, s5;
	(pc) =	sbr.rel .LBB2_1-.Ltmp0, $4  }
0xf: {  	s5 =	sadd.s32 $0x100, s2;
	s0 =	smax.u32 s0, $0x1;
	[dreg:$0x3] =	wrdreg s25  }
0x10: {  	v2 =	vlaneseq.u32;
	[dreg:$0x4] =	wrdreg s0;
	s25 =	simm.s32 $0x7C00;
	s1 =	sadd.s32 s4, s1  }
0x11: {  	vm0 =	vmmov $0xffff;
	v1 =	vshrl.u32 v2, $0x3;
	v0 =	vand.u32 $0x7, v2;
	s0 =	simm.s32 $0xB400;
	s4 =	simm.s32 $0xBC00;
	s26 =	sadd.s32 $0x183800, s1  }
0x12: {  	v2 =	vor.u32 $0x8, v2;
	v1 =	vmul.u32 $0x8, v1;
	v3 =	vor.u32 $0x8, v0;
	s1 =	simm.s32 $0xAC00;
	[dreg:$0x5] =	wrdreg s26;
	s26 =	simm.s32 $0x8400  }
.LBB2_7:
0x13: {  	s19 =	sadd.s32 $0x1, s19;
	s14 =	rddreg [dreg:$0x4]  }
0x14: {  	p0 =	sne.s32 s19, s14  }
.Ltmp1:
0x15: {  	_ = 	snop;
	(pc) =	sbr.rel @!p0 .LBB2_8-.Ltmp1, $1  }
0x16: {  	_ =	sdelay $0x3  }
.LBB2_1:
0x17: {  	s14 =	rddreg [dreg:$0x3];
	s22 =	simm.s32 $0x3  }
0x18: {  	[tilespmem:s3], [sflag:$0x3] =	stream.linear.gather [hbm4b:s14+s3], $0x400, $0x38;
	[tilespmem:$0x18400] =	vst v63  }
0x19: {  	_ =	swait.ge [sflag:s22], $0x400  }
0x1a: {  	[sflag:s22] =	ssyncset.done $0x0  }
0x1b: {  	[sflag:s22] =	ssyncadd.s32 $0xFFFFFC00  }
0x1c: {  	v4 =	vld [tilespmem:$0x0];
	_ =	sdelay $0x4  }
0x1d: {  	v5 =	vshrl.u32 v4, $0x3  }
0x1e: {  	v5 =	vmul.u32 $0x30, v5  }
0x1f: {  	v4 =	vand.u32 $0x7, v4  }
0x20: {  	v4 =	vor.u32 v4, v5  }
0x21: {  	v5 =	vperm.xlane v4, v0;
	_ =	sdelay $0x1  }
0x22: {  	v5 =	vadd.s32 v1, v5;
	_ =	sdelay $0x3  }
0x23: {  	v4 =	vperm.xlane v4, v2  }
0x24: {  	[tilespmem:s10], [sflag:$0x1] =	stream.indirect_vreg.gather [hbm4b:s2+s3], $0x80, v5, vm0, $0xb8;
	[tilespmem:$0x18400] =	vst v63  }
0x25: {  	s20 =	simm.s32 $0xC00;
	v4 =	vadd.s32 v1, v4  }
0x26: {  	[tilespmem:s20], [sflag:$0x1] =	stream.indirect_vreg.gather [hbm4b:s5+s3], $0x80, v5, vm0, $0xb8;
	[tilespmem:$0x18400] =	vst v63  }
0x27: {  	s21 =	simm.s32 $0x1400  }
0x28: {  	[tilespmem:s21], [sflag:$0x1] =	stream.indirect_vreg.gather [hbm4b:s6+s3], $0x80, v5, vm0, $0xb8;
	[tilespmem:$0x18400] =	vst v63  }
0x29: {  	s22 =	simm.s32 $0x1C00  }
0x2a: {  	[tilespmem:s22], [sflag:$0x1] =	stream.indirect_vreg.gather [hbm4b:s2+s3], $0x80, v4, vm0, $0xb8;
	[tilespmem:$0x18400] =	vst v63  }
0x2b: {  	s20 =	simm.s32 $0x2400  }
0x2c: {  	[tilespmem:s20], [sflag:$0x1] =	stream.indirect_vreg.gather [hbm4b:s5+s3], $0x80, v4, vm0, $0xb8;
	[tilespmem:$0x18400] =	vst v63  }
0x2d: {  	s21 =	simm.s32 $0x2C00  }
0x2e: {  	[tilespmem:s21], [sflag:$0x1] =	stream.indirect_vreg.gather [hbm4b:s6+s3], $0x80, v4, vm0, $0xb8;
	[tilespmem:$0x18400] =	vst v63  }
0x2f: {  	v4 =	vld [tilespmem:$0x10];
	_ =	sdelay $0x4  }
0x30: {  	v5 =	vshrl.u32 v4, $0x3  }
0x31: {  	v5 =	vmul.u32 $0x30, v5  }
0x32: {  	v4 =	vand.u32 $0x7, v4  }
0x33: {  	v4 =	vor.u32 v4, v5  }
0x34: {  	v5 =	vperm.xlane v4, v0;
	_ =	sdelay $0x1  }
0x35: {  	v5 =	vadd.s32 v1, v5;
	_ =	sdelay $0x3  }
0x36: {  	s22 =	simm.s32 $0x3400;
	v4 =	vperm.xlane v4, v2  }
0x37: {  	[tilespmem:s22], [sflag:$0x1] =	stream.indirect_vreg.gather [hbm4b:s2+s3], $0x80, v5, vm0, $0xb8;
	[tilespmem:$0x18400] =	vst v63  }
0x38: {  	s20 =	simm.s32 $0x3C00;
	v4 =	vadd.s32 v1, v4  }
0x39: {  	[tilespmem:s20], [sflag:$0x1] =	stream.indirect_vreg.gather [hbm4b:s5+s3], $0x80, v5, vm0, $0xb8;
	[tilespmem:$0x18400] =	vst v63  }
0x3a: {  	s21 =	simm.s32 $0x4400  }
0x3b: {  	[tilespmem:s21], [sflag:$0x1] =	stream.indirect_vreg.gather [hbm4b:s6+s3], $0x80, v5, vm0, $0xb8;
	[tilespmem:$0x18400] =	vst v63  }
0x3c: {  	s22 =	simm.s32 $0x4C00  }
0x3d: {  	[tilespmem:s22], [sflag:$0x1] =	stream.indirect_vreg.gather [hbm4b:s2+s3], $0x80, v4, vm0, $0xb8;
	[tilespmem:$0x18400] =	vst v63  }
0x3e: {  	s20 =	simm.s32 $0x5400  }
0x3f: {  	[tilespmem:s20], [sflag:$0x1] =	stream.indirect_vreg.gather [hbm4b:s5+s3], $0x80, v4, vm0, $0xb8;
	[tilespmem:$0x18400] =	vst v63  }
0x40: {  	s21 =	simm.s32 $0x5C00  }
0x41: {  	[tilespmem:s21], [sflag:$0x1] =	stream.indirect_vreg.gather [hbm4b:s6+s3], $0x80, v4, vm0, $0xb8;
	[tilespmem:$0x18400] =	vst v63  }
0x42: {  	v4 =	vld [tilespmem:$0x20];
	_ =	sdelay $0x4  }
0x43: {  	v5 =	vshrl.u32 v4, $0x3  }
0x44: {  	v5 =	vmul.u32 $0x30, v5  }
0x45: {  	v4 =	vand.u32 $0x7, v4  }
0x46: {  	v4 =	vor.u32 v4, v5  }
0x47: {  	v5 =	vperm.xlane v4, v0;
	_ =	sdelay $0x1  }
0x48: {  	v5 =	vadd.s32 v1, v5;
	_ =	sdelay $0x3  }
0x49: {  	s22 =	simm.s32 $0x6400;
	v4 =	vperm.xlane v4, v2  }
0x4a: {  	[tilespmem:s22], [sflag:$0x1] =	stream.indirect_vreg.gather [hbm4b:s2+s3], $0x80, v5, vm0, $0xb8;
	[tilespmem:$0x18400] =	vst v63  }
0x4b: {  	v4 =	vadd.s32 v1, v4  }
0x4c: {  	[tilespmem:s23], [sflag:$0x1] =	stream.indirect_vreg.gather [hbm4b:s5+s3], $0x80, v5, vm0, $0xb8;
	[tilespmem:$0x18400] =	vst v63  }
0x4d: {  	_ = 	snop  }
0x4e: {  	[tilespmem:s24], [sflag:$0x1] =	stream.indirect_vreg.gather [hbm4b:s6+s3], $0x80, v5, vm0, $0xb8;
	[tilespmem:$0x18400] =	vst v63  }
0x4f: {  	_ = 	snop  }
0x50: {  	[tilespmem:s25], [sflag:$0x1] =	stream.indirect_vreg.gather [hbm4b:s2+s3], $0x80, v4, vm0, $0xb8;
	[tilespmem:$0x18400] =	vst v63  }
0x51: {  	_ = 	snop  }
0x52: {  	[tilespmem:s26], [sflag:$0x1] =	stream.indirect_vreg.gather [hbm4b:s5+s3], $0x80, v4, vm0, $0xb8;
	[tilespmem:$0x18400] =	vst v63  }
0x53: {  	_ = 	snop  }
0x54: {  	[tilespmem:s28], [sflag:$0x1] =	stream.indirect_vreg.gather [hbm4b:s6+s3], $0x80, v4, vm0, $0xb8;
	[tilespmem:$0x18400] =	vst v63  }
0x55: {  	v4 =	vld [tilespmem:$0x30];
	_ =	sdelay $0x4  }
0x56: {  	v5 =	vshrl.u32 v4, $0x3  }
0x57: {  	v5 =	vmul.u32 $0x30, v5  }
0x58: {  	v4 =	vand.u32 $0x7, v4  }
0x59: {  	v4 =	vor.u32 v4, v5  }
0x5a: {  	v5 =	vperm.xlane v4, v0;
	_ =	sdelay $0x1  }
0x5b: {  	v5 =	vadd.s32 v1, v5;
	_ =	sdelay $0x3  }
0x5c: {  	v4 =	vperm.xlane v4, v2  }
0x5d: {  	[tilespmem:s29], [sflag:$0x1] =	stream.indirect_vreg.gather [hbm4b:s2+s3], $0x80, v5, vm0, $0xb8;
	[tilespmem:$0x18400] =	vst v63  }
0x5e: {  	v4 =	vadd.s32 v1, v4  }
0x5f: {  	[tilespmem:s30], [sflag:$0x1] =	stream.indirect_vreg.gather [hbm4b:s5+s3], $0x80, v5, vm0, $0xb8;
	[tilespmem:$0x18400] =	vst v63  }
0x60: {  	_ = 	snop  }
0x61: {  	[tilespmem:s31], [sflag:$0x1] =	stream.indirect_vreg.gather [hbm4b:s6+s3], $0x80, v5, vm0, $0xb8;
	[tilespmem:$0x18400] =	vst v63  }
0x62: {  	_ = 	snop  }
0x63: {  	[tilespmem:s1], [sflag:$0x1] =	stream.indirect_vreg.gather [hbm4b:s2+s3], $0x80, v4, vm0, $0xb8;
	[tilespmem:$0x18400] =	vst v63  }
.Ltmp2:
0x64: {  	_ = 	snop;
	(pc) =	sbr.rel .LBB2_2-.Ltmp2, $4  }
0x65: {  	_ = 	snop  }
0x66: {  	[tilespmem:s0], [sflag:$0x1] =	stream.indirect_vreg.gather [hbm4b:s5+s3], $0x80, v4, vm0, $0xb8;
	[tilespmem:$0x18400] =	vst v63  }
0x67: {  	s14 =	simm.s32 $0xB0;
	s20 =	rddreg [dreg:$0x5];
	s21 =	simm.s32 $0x0  }
0x68: {  	[tilespmem:s4], [sflag:$0x1] =	stream.indirect_vreg.gather [hbm4b:s6+s3], $0x80, v4, vm0, $0xb8;
	[tilespmem:$0x18400] =	vst v63  }
.LBB2_4:
0x69: {  	_ =	sdelay $0x3  }
0x6a: {  	[tilespmem:s10], [sflag:$0x1] =	stream.indirect_vreg.gather [hbm4b:s2+s3], $0x80, v5, vm0, $0xb8;
	[tilespmem:$0x18400] =	vst v63  }
0x6b: {  	s22 =	simm.s32 $0xC00  }
0x6c: {  	[tilespmem:s22], [sflag:$0x1] =	stream.indirect_vreg.gather [hbm4b:s5+s3], $0x80, v5, vm0, $0xb8;
	[tilespmem:$0x18400] =	vst v63  }
0x6d: {  	s22 =	simm.s32 $0x1400  }
0x6e: {  	[tilespmem:s22], [sflag:$0x1] =	stream.indirect_vreg.gather [hbm4b:s6+s3], $0x80, v5, vm0, $0xb8;
	[tilespmem:$0x18400] =	vst v63  }
0x6f: {  	s22 =	simm.s32 $0x1C00  }
0x70: {  	[tilespmem:s22], [sflag:$0x1] =	stream.indirect_vreg.gather [hbm4b:s2+s3], $0x80, v4, vm0, $0xb8;
	[tilespmem:$0x18400] =	vst v63  }
0x71: {  	s22 =	simm.s32 $0x2400  }
0x72: {  	[tilespmem:s22], [sflag:$0x1] =	stream.indirect_vreg.gather [hbm4b:s5+s3], $0x80, v4, vm0, $0xb8;
	[tilespmem:$0x18400] =	vst v63  }
0x73: {  	s22 =	simm.s32 $0x2C00  }
0x74: {  	[tilespmem:s22], [sflag:$0x1] =	stream.indirect_vreg.gather [hbm4b:s6+s3], $0x80, v4, vm0, $0xb8;
	[tilespmem:$0x18400] =	vst v63  }
0x75: {  	v4 =	vld [tilespmem:s14+$0xFFFFFFE0];
	_ =	sdelay $0x4  }
0x76: {  	v5 =	vshrl.u32 v4, $0x3  }
0x77: {  	v5 =	vmul.u32 $0x30, v5  }
0x78: {  	v4 =	vand.u32 $0x7, v4  }
0x79: {  	v4 =	vor.u32 v4, v5  }
0x7a: {  	v5 =	vperm.xlane v4, v0;
	_ =	sdelay $0x1  }
0x7b: {  	v5 =	vadd.s32 v1, v5;
	_ =	sdelay $0x3  }
0x7c: {  	s22 =	simm.s32 $0x3400;
	v4 =	vperm.xlane v4, v3  }
0x7d: {  	[tilespmem:s22], [sflag:$0x1] =	stream.indirect_vreg.gather [hbm4b:s2+s3], $0x80, v5, vm0, $0xb8;
	[tilespmem:$0x18400] =	vst v63  }
0x7e: {  	v4 =	vadd.s32 v1, v4;
	s22 =	simm.s32 $0x3C00  }
0x7f: {  	[tilespmem:s22], [sflag:$0x1] =	stream.indirect_vreg.gather [hbm4b:s5+s3], $0x80, v5, vm0, $0xb8;
	[tilespmem:$0x18400] =	vst v63  }
0x80: {  	s22 =	simm.s32 $0x4400  }
0x81: {  	[tilespmem:s22], [sflag:$0x1] =	stream.indirect_vreg.gather [hbm4b:s6+s3], $0x80, v5, vm0, $0xb8;
	[tilespmem:$0x18400] =	vst v63  }
0x82: {  	s22 =	simm.s32 $0x4C00  }
0x83: {  	[tilespmem:s22], [sflag:$0x1] =	stream.indirect_vreg.gather [hbm4b:s2+s3], $0x80, v4, vm0, $0xb8;
	[tilespmem:$0x18400] =	vst v63  }
0x84: {  	s22 =	simm.s32 $0x5400  }
0x85: {  	[tilespmem:s22], [sflag:$0x1] =	stream.indirect_vreg.gather [hbm4b:s5+s3], $0x80, v4, vm0, $0xb8;
	[tilespmem:$0x18400] =	vst v63  }
0x86: {  	s22 =	simm.s32 $0x5C00  }
0x87: {  	[tilespmem:s22], [sflag:$0x1] =	stream.indirect_vreg.gather [hbm4b:s6+s3], $0x80, v4, vm0, $0xb8;
	[tilespmem:$0x18400] =	vst v63  }
0x88: {  	v4 =	vld [tilespmem:s14+$0xFFFFFFF0];
	_ =	sdelay $0x4  }
0x89: {  	v5 =	vshrl.u32 v4, $0x3  }
0x8a: {  	v5 =	vmul.u32 $0x30, v5  }
0x8b: {  	v4 =	vand.u32 $0x7, v4  }
0x8c: {  	v4 =	vor.u32 v4, v5  }
0x8d: {  	v5 =	vperm.xlane v4, v0;
	_ =	sdelay $0x1  }
0x8e: {  	v5 =	vadd.s32 v1, v5;
	_ =	sdelay $0x3  }
0x8f: {  	s22 =	simm.s32 $0x6400;
	v4 =	vperm.xlane v4, v3  }
0x90: {  	[tilespmem:s22], [sflag:$0x1] =	stream.indirect_vreg.gather [hbm4b:s2+s3], $0x80, v5, vm0, $0xb8;
	[tilespmem:$0x18400] =	vst v63  }
0x91: {  	v4 =	vadd.s32 v1, v4  }
0x92: {  	[tilespmem:s23], [sflag:$0x1] =	stream.indirect_vreg.gather [hbm4b:s5+s3], $0x80, v5, vm0, $0xb8;
	[tilespmem:$0x18400] =	vst v63  }
0x93: {  	_ = 	snop  }
0x94: {  	[tilespmem:s24], [sflag:$0x1] =	stream.indirect_vreg.gather [hbm4b:s6+s3], $0x80, v5, vm0, $0xb8;
	[tilespmem:$0x18400] =	vst v63  }
0x95: {  	_ = 	snop  }
0x96: {  	[tilespmem:s25], [sflag:$0x1] =	stream.indirect_vreg.gather [hbm4b:s2+s3], $0x80, v4, vm0, $0xb8;
	[tilespmem:$0x18400] =	vst v63  }
0x97: {  	_ = 	snop  }
0x98: {  	[tilespmem:s26], [sflag:$0x1] =	stream.indirect_vreg.gather [hbm4b:s5+s3], $0x80, v4, vm0, $0xb8;
	[tilespmem:$0x18400] =	vst v63  }
0x99: {  	_ = 	snop  }
0x9a: {  	[tilespmem:s28], [sflag:$0x1] =	stream.indirect_vreg.gather [hbm4b:s6+s3], $0x80, v4, vm0, $0xb8;
	[tilespmem:$0x18400] =	vst v63  }
0x9b: {  	v4 =	vld [tilespmem:s14+$0x0];
	_ =	sdelay $0x4  }
0x9c: {  	v5 =	vshrl.u32 v4, $0x3  }
0x9d: {  	v5 =	vmul.u32 $0x30, v5  }
0x9e: {  	v4 =	vand.u32 $0x7, v4  }
0x9f: {  	v4 =	vor.u32 v4, v5  }
0xa0: {  	v5 =	vperm.xlane v4, v0;
	_ =	sdelay $0x1  }
0xa1: {  	v5 =	vadd.s32 v1, v5;
	_ =	sdelay $0x3  }
0xa2: {  	v4 =	vperm.xlane v4, v3  }
0xa3: {  	[tilespmem:s29], [sflag:$0x1] =	stream.indirect_vreg.gather [hbm4b:s2+s3], $0x80, v5, vm0, $0xb8;
	[tilespmem:$0x18400] =	vst v63  }
0xa4: {  	v4 =	vadd.s32 v1, v4  }
0xa5: {  	[tilespmem:s30], [sflag:$0x1] =	stream.indirect_vreg.gather [hbm4b:s5+s3], $0x80, v5, vm0, $0xb8;
	[tilespmem:$0x18400] =	vst v63  }
0xa6: {  	_ = 	snop  }
0xa7: {  	[tilespmem:s31], [sflag:$0x1] =	stream.indirect_vreg.gather [hbm4b:s6+s3], $0x80, v5, vm0, $0xb8;
	[tilespmem:$0x18400] =	vst v63  }
0xa8: {  	_ = 	snop  }
0xa9: {  	[tilespmem:s1], [sflag:$0x1] =	stream.indirect_vreg.gather [hbm4b:s2+s3], $0x80, v4, vm0, $0xb8;
	[tilespmem:$0x18400] =	vst v63  }
0xaa: {  	_ = 	snop  }
0xab: {  	[tilespmem:s0], [sflag:$0x1] =	stream.indirect_vreg.gather [hbm4b:s5+s3], $0x80, v4, vm0, $0xb8;
	[tilespmem:$0x18400] =	vst v63  }
0xac: {  	_ = 	snop  }
0xad: {  	[tilespmem:s4], [sflag:$0x1] =	stream.indirect_vreg.gather [hbm4b:s6+s3], $0x80, v4, vm0, $0xb8;
	[tilespmem:$0x18400] =	vst v63  }
.LBB2_5:
0xae: {  	_ =	swait.ge [sflag:s7], $0xC000  }
0xaf: {  	[sflag:s7] =	ssyncset.done $0x0  }
0xb0: {  	s22 =	simm.s32 $0x4;
	[sflag:s7] =	ssyncadd.s32 $0xFFFF4000  }
0xb1: {  	[hbm4b:s20+s3] =	stream.linear.scatter [tilespmem:s8], [sflag:$0x4], $0xC000, $0x38;
	[tilespmem:$0x18400] =	vst v63  }
.LBB2_6:
0xb2: {  	s21 =	sadd.s32 $0x1, s21  }
0xb3: {  	p0 =	sne.s32 s21, $0x8  }
.Ltmp3:
0xb4: {  	_ = 	snop;
	(pc) =	sbr.rel @!p0 .LBB2_7-.Ltmp3, $4  }
0xb5: {  	_ = 	snop  }
0xb6: {  	_ =	swait.ge [sflag:s22], $0xC000  }
0xb7: {  	[sflag:s22] =	ssyncset.done $0x0  }
0xb8: {  	s20 =	sadd.s32 $0x1800, s20;
	s14 =	sadd.s32 $0x80, s14;
	[sflag:s22] =	ssyncadd.s32 $0xFFFF4000  }
.LBB2_2:
0xb9: {  	p0 =	seq.s32 s21, $0x7  }
.Ltmp4:
0xba: {  	_ = 	snop;
	(pc) =	sbr.rel @p0 .LBB2_5-.Ltmp4, $1  }
0xbb: {  	_ =	sdelay $0x3  }
0xbc: {  	v4 =	vld [tilespmem:s14+$0xFFFFFFD0];
	_ =	sdelay $0x4  }
0xbd: {  	s22 =	sand.u32 $0x1, s21;
	v5 =	vshrl.u32 v4, $0x3  }
0xbe: {  	p0 =	seq.s32 s22, $0x0;
	v5 =	vmul.u32 $0x30, v5  }
.Ltmp5:
0xbf: {  	v4 =	vand.u32 $0x7, v4;
	(pc) =	sbr.rel @!p0 .LBB2_4-.Ltmp5, $3  }
0xc0: {  	v4 =	vor.u32 v4, v5  }
0xc1: {  	v5 =	vperm.xlane v4, v0;
	v4 =	vperm.xlane v4, v3;
	_ =	sdelay $0x1  }
0xc2: {  	v5 =	vadd.s32 v1, v5;
	v4 =	vadd.s32 v1, v4  }
0xc3: {  	_ =	sdelay $0x3  }
0xc4: {  	[tilespmem:s8], [sflag:$0x2] =	stream.indirect_vreg.gather [hbm4b:s2+s3], $0x80, v5, vm0, $0xb8;
	[tilespmem:$0x18400] =	vst v63  }
0xc5: {  	s22 =	simm.s32 $0xCC00  }
0xc6: {  	[tilespmem:s22], [sflag:$0x2] =	stream.indirect_vreg.gather [hbm4b:s5+s3], $0x80, v5, vm0, $0xb8;
	[tilespmem:$0x18400] =	vst v63  }
0xc7: {  	s22 =	simm.s32 $0xD400  }
0xc8: {  	[tilespmem:s22], [sflag:$0x2] =	stream.indirect_vreg.gather [hbm4b:s6+s3], $0x80, v5, vm0, $0xb8;
	[tilespmem:$0x18400] =	vst v63  }
0xc9: {  	s22 =	simm.s32 $0xDC00  }
0xca: {  	[tilespmem:s22], [sflag:$0x2] =	stream.indirect_vreg.gather [hbm4b:s2+s3], $0x80, v4, vm0, $0xb8;
	[tilespmem:$0x18400] =	vst v63  }
0xcb: {  	s22 =	simm.s32 $0xE400  }
0xcc: {  	[tilespmem:s22], [sflag:$0x2] =	stream.indirect_vreg.gather [hbm4b:s5+s3], $0x80, v4, vm0, $0xb8;
	[tilespmem:$0x18400] =	vst v63  }
0xcd: {  	s22 =	simm.s32 $0xEC00  }
0xce: {  	[tilespmem:s22], [sflag:$0x2] =	stream.indirect_vreg.gather [hbm4b:s6+s3], $0x80, v4, vm0, $0xb8;
	[tilespmem:$0x18400] =	vst v63  }
0xcf: {  	v4 =	vld [tilespmem:s14+$0xFFFFFFE0];
	_ =	sdelay $0x4  }
0xd0: {  	v5 =	vshrl.u32 v4, $0x3  }
0xd1: {  	v5 =	vmul.u32 $0x30, v5  }
0xd2: {  	v4 =	vand.u32 $0x7, v4  }
0xd3: {  	v4 =	vor.u32 v4, v5  }
0xd4: {  	v5 =	vperm.xlane v4, v0;
	_ =	sdelay $0x1  }
0xd5: {  	v5 =	vadd.s32 v1, v5;
	_ =	sdelay $0x3  }
0xd6: {  	s22 =	simm.s32 $0xF400;
	v4 =	vperm.xlane v4, v3  }
0xd7: {  	[tilespmem:s22], [sflag:$0x2] =	stream.indirect_vreg.gather [hbm4b:s2+s3], $0x80, v5, vm0, $0xb8;
	[tilespmem:$0x18400] =	vst v63  }
0xd8: {  	v4 =	vadd.s32 v1, v4;
	s22 =	simm.s32 $0xFC00  }
0xd9: {  	[tilespmem:s22], [sflag:$0x2] =	stream.indirect_vreg.gather [hbm4b:s5+s3], $0x80, v5, vm0, $0xb8;
	[tilespmem:$0x18400] =	vst v63  }
0xda: {  	s22 =	simm.s32 $0x10400  }
0xdb: {  	[tilespmem:s22], [sflag:$0x2] =	stream.indirect_vreg.gather [hbm4b:s6+s3], $0x80, v5, vm0, $0xb8;
	[tilespmem:$0x18400] =	vst v63  }
0xdc: {  	s22 =	simm.s32 $0x10C00  }
0xdd: {  	[tilespmem:s22], [sflag:$0x2] =	stream.indirect_vreg.gather [hbm4b:s2+s3], $0x80, v4, vm0, $0xb8;
	[tilespmem:$0x18400] =	vst v63  }
0xde: {  	s22 =	simm.s32 $0x11400  }
0xdf: {  	[tilespmem:s22], [sflag:$0x2] =	stream.indirect_vreg.gather [hbm4b:s5+s3], $0x80, v4, vm0, $0xb8;
	[tilespmem:$0x18400] =	vst v63  }
0xe0: {  	s22 =	simm.s32 $0x11C00  }
0xe1: {  	[tilespmem:s22], [sflag:$0x2] =	stream.indirect_vreg.gather [hbm4b:s6+s3], $0x80, v4, vm0, $0xb8;
	[tilespmem:$0x18400] =	vst v63  }
0xe2: {  	v4 =	vld [tilespmem:s14+$0xFFFFFFF0];
	_ =	sdelay $0x4  }
0xe3: {  	v5 =	vshrl.u32 v4, $0x3  }
0xe4: {  	v5 =	vmul.u32 $0x30, v5  }
0xe5: {  	v4 =	vand.u32 $0x7, v4  }
0xe6: {  	v4 =	vor.u32 v4, v5  }
0xe7: {  	v5 =	vperm.xlane v4, v0;
	_ =	sdelay $0x1  }
0xe8: {  	v5 =	vadd.s32 v1, v5;
	_ =	sdelay $0x3  }
0xe9: {  	s22 =	simm.s32 $0x12400;
	v4 =	vperm.xlane v4, v3  }
0xea: {  	[tilespmem:s22], [sflag:$0x2] =	stream.indirect_vreg.gather [hbm4b:s2+s3], $0x80, v5, vm0, $0xb8;
	[tilespmem:$0x18400] =	vst v63  }
0xeb: {  	v4 =	vadd.s32 v1, v4;
	s22 =	simm.s32 $0x12C00  }
0xec: {  	[tilespmem:s22], [sflag:$0x2] =	stream.indirect_vreg.gather [hbm4b:s5+s3], $0x80, v5, vm0, $0xb8;
	[tilespmem:$0x18400] =	vst v63  }
0xed: {  	s22 =	simm.s32 $0x13400  }
0xee: {  	[tilespmem:s22], [sflag:$0x2] =	stream.indirect_vreg.gather [hbm4b:s6+s3], $0x80, v5, vm0, $0xb8;
	[tilespmem:$0x18400] =	vst v63  }
0xef: {  	s22 =	simm.s32 $0x13C00  }
0xf0: {  	[tilespmem:s22], [sflag:$0x2] =	stream.indirect_vreg.gather [hbm4b:s2+s3], $0x80, v4, vm0, $0xb8;
	[tilespmem:$0x18400] =	vst v63  }
0xf1: {  	s22 =	simm.s32 $0x14400  }
0xf2: {  	[tilespmem:s22], [sflag:$0x2] =	stream.indirect_vreg.gather [hbm4b:s5+s3], $0x80, v4, vm0, $0xb8;
	[tilespmem:$0x18400] =	vst v63  }
0xf3: {  	_ = 	snop  }
0xf4: {  	[tilespmem:s9], [sflag:$0x2] =	stream.indirect_vreg.gather [hbm4b:s6+s3], $0x80, v4, vm0, $0xb8;
	[tilespmem:$0x18400] =	vst v63  }
0xf5: {  	v4 =	vld [tilespmem:s14+$0x0];
	_ =	sdelay $0x4  }
0xf6: {  	v5 =	vshrl.u32 v4, $0x3  }
0xf7: {  	v5 =	vmul.u32 $0x30, v5  }
0xf8: {  	v4 =	vand.u32 $0x7, v4  }
0xf9: {  	v4 =	vor.u32 v4, v5  }
0xfa: {  	v5 =	vperm.xlane v4, v0;
	_ =	sdelay $0x1  }
0xfb: {  	v5 =	vadd.s32 v1, v5;
	_ =	sdelay $0x3  }
0xfc: {  	v4 =	vperm.xlane v4, v3  }
0xfd: {  	[tilespmem:s15], [sflag:$0x2] =	stream.indirect_vreg.gather [hbm4b:s2+s3], $0x80, v5, vm0, $0xb8;
	[tilespmem:$0x18400] =	vst v63  }
0xfe: {  	v4 =	vadd.s32 v1, v4  }
0xff: {  	[tilespmem:s12], [sflag:$0x2] =	stream.indirect_vreg.gather [hbm4b:s5+s3], $0x80, v5, vm0, $0xb8;
	[tilespmem:$0x18400] =	vst v63  }
0x100: {  	_ = 	snop  }
0x101: {  	[tilespmem:s16], [sflag:$0x2] =	stream.indirect_vreg.gather [hbm4b:s6+s3], $0x80, v5, vm0, $0xb8;
	[tilespmem:$0x18400] =	vst v63  }
0x102: {  	_ = 	snop  }
0x103: {  	[tilespmem:s17], [sflag:$0x2] =	stream.indirect_vreg.gather [hbm4b:s2+s3], $0x80, v4, vm0, $0xb8;
	[tilespmem:$0x18400] =	vst v63  }
0x104: {  	_ = 	snop  }
0x105: {  	[tilespmem:s13], [sflag:$0x2] =	stream.indirect_vreg.gather [hbm4b:s5+s3], $0x80, v4, vm0, $0xb8;
	[tilespmem:$0x18400] =	vst v63  }
0x106: {  	_ = 	snop  }
0x107: {  	[tilespmem:s18], [sflag:$0x2] =	stream.indirect_vreg.gather [hbm4b:s6+s3], $0x80, v4, vm0, $0xb8;
	[tilespmem:$0x18400] =	vst v63  }
.Ltmp6:
0x108: {  	_ = 	snop;
	(pc) =	sbr.rel .LBB2_6-.Ltmp6, $4  }
0x109: {  	_ =	swait.ge [sflag:s11], $0xC000  }
0x10a: {  	[sflag:s11] =	ssyncset.done $0x0  }
0x10b: {  	s22 =	simm.s32 $0x3;
	[sflag:s11] =	ssyncadd.s32 $0xFFFF4000  }
0x10c: {  	[hbm4b:s20+s3] =	stream.linear.scatter [tilespmem:s10], [sflag:$0x3], $0xC000, $0x38;
	[tilespmem:$0x18400] =	vst v63  }
.LBB2_8:
0x10d: {  	_ =	sfence.sel $0x180000  }
0x10e: {  	[bflag:$0x0] =	sbarrier.arrive $0xFFFF  }
0x10f: {  	_ =	strace $0x9000004A  }
0x110: {  	s0 =	stileid.u32;
	[bflag:$0x2] =	sbarrier.arrive $0xFFFF  }
0x111: {  	p0 =	sne.s32 s0, $0x0;
	s0 =	rddreg [dreg:$0x2]  }
0x112: {  	s0 =	sadd.s32 @!p0 $0x100000, s0  }
0x113: {  	[sflag:s0] =	ssyncadd.tile.s32 @!p0 $0x1;
	_ =	shalt  }
.Lfunc_end2:
_tile_overlayer_lowered:
.L_overlay_start_2:
0x114: {  	(tag) =	ssettag $0x2  }
0x115: {  	s0 =	rddreg [dreg:$0x0];
	s2 =	stileid.u32  }
0x116: {  	s1 =	rddreg [dreg:$0x1];
	p0 =	sne.s32 s2, $0x0  }
0x117: {  	s3 =	rddreg [dreg:$0x2];
	[bflag:$0x3] =	sbarrier.arrive $0xFFFF;
	s2 =	simm.s32 @!p0 $0x1C03  }
0x118: {  	[timem:s3], [sflag:s2] =	dma.local @!p0 [hbm:s0], s1  }
0x119: {  	s0 =	simm.s32 @!p0 $0x3  }
0x11a: {  	_ =	swait.ge @!p0 [sflag:s0], s1  }
0x11b: {  	s1 =	ssub.s32 @!p0 $0x0, s1;
	[sflag:s0] =	ssyncset.done @!p0 $0x0  }
0x11c: {  	[sflag:s0] =	ssyncadd.s32 @!p0 s1  }
0x11d: {  	[bflag:$0x3] =	sbarrier.arrive $0xFFFF  }
0x11e: {  	_ =	shalt  }

</sc_bundles>
